<compile_context>
chip_gen: v7x
topology: tpu7x:2x2x1
jax: 0.10.2.dev20260603
libtpu: 0.0.44.dev20260713+nightly
codegen_flags: <defaults>
</compile_context>

<pallas_src>
import jax
import jax.numpy as jnp
from jax import lax
from jax.experimental import pallas as pl
from jax.experimental.pallas import tpu as pltpu
from jax.experimental.pallas import tpu_sc as plsc

N = 1600000
D = 15
S = 4096
OUT = 5

NC = 2
NS = 16
NW = NC * NS
LANES = 16
ROWS_PER_TILE = N // NW
CHUNK = 2000
NCHUNKS = ROWS_PER_TILE // CHUNK


def _sc_body(x_hbm, batch_hbm, out_hbm, xbuf, bbuf, acc):
    wid = lax.axis_index("s") * NC + lax.axis_index("c")
    base_row = wid * ROWS_PER_TILE
    iota = lax.iota(jnp.int32, LANES)
    lane_is_feat = iota < D
    ones = jnp.ones((LANES,), jnp.float32)
    zeros = jnp.zeros((LANES,), jnp.float32)

    @plsc.parallel_loop(0, LANES * S, step=LANES, unroll=4)
    def _zero(j):
        acc[pl.ds(j, LANES)] = zeros

    def chunk_body(c, _):
        r0 = base_row + c * CHUNK
        pltpu.sync_copy(x_hbm.at[pl.ds(r0 * D, CHUNK * D)], xbuf.at[pl.ds(0, CHUNK * D)])
        pltpu.sync_copy(batch_hbm.at[pl.ds(r0, CHUNK)], bbuf)

        @plsc.parallel_loop(0, CHUNK // LANES, unroll=2)
        def _groups(g):
            g0 = g * LANES
            bvec = bbuf[pl.ds(g0, LANES)] * LANES
            for k in range(LANES):
                row = xbuf[pl.ds((g0 + k) * D, LANES)]
                vals = jnp.where(lane_is_feat, row, ones)
                plsc.addupdate_scatter(
                    acc, [jnp.full((LANES,), bvec[k], jnp.int32) + iota], vals)
        return 0
    lax.fori_loop(0, NCHUNKS, chunk_body, 0)

    pltpu.sync_copy(acc, out_hbm.at[wid])


_sc_segment_sum = pl.kernel(
    _sc_body,
    out_type=jax.ShapeDtypeStruct((NW, S * LANES), jnp.float32),
    mesh=plsc.VectorSubcoreMesh(core_axis_name="c", subcore_axis_name="s"),
    compiler_params=pltpu.CompilerParams(needs_layout_passes=False),
    scratch_types=[
        pltpu.VMEM((CHUNK * D + LANES,), jnp.float32),
        pltpu.VMEM((CHUNK,), jnp.int32),
        pltpu.VMEM((LANES * S,), jnp.float32),
    ],
)


def _tc_tail_body(p_ref, w_ref, b_ref, o_ref, acc_ref):
    i = pl.program_id(0)

    @pl.when(i == 0)
    def _init():
        acc_ref[...] = p_ref[0]

    @pl.when(i > 0)
    def _accum():
        acc_ref[...] += p_ref[0]

    @pl.when(i == NW - 1)
    def _finish():
        s = acc_ref[...]
        counts = s[:, D]
        mean = s[:, :D] / jnp.maximum(counts, 1.0)[:, None]
        out = lax.dot_general(mean, w_ref[...], (((1,), (1,)), ((), ())),
                              preferred_element_type=jnp.float32)
        o_ref[...] = jnp.where(counts[:, None] > 0, out + b_ref[...][None, :], 0.0)


_tc_tail = pl.pallas_call(
    _tc_tail_body,
    grid=(NW,),
    in_specs=[
        pl.BlockSpec((1, S, LANES), lambda i: (i, 0, 0)),
        pl.BlockSpec((OUT, D), lambda i: (0, 0)),
        pl.BlockSpec((OUT,), lambda i: (0,)),
    ],
    out_specs=pl.BlockSpec((S, OUT), lambda i: (0, 0)),
    scratch_shapes=[pltpu.VMEM((S, LANES), jnp.float32)],
    out_shape=jax.ShapeDtypeStruct((S, OUT), jnp.float32),
)


def kernel(x, batch, W, b):
    partials = _sc_segment_sum(x.reshape(N * D), batch.astype(jnp.int32))
    return _tc_tail(partials.reshape(NW, S, LANES), W, b)

# --- scband reference (transcript-rebuilt; emitter-appended) ---
"""Pipeline reference for scband-mock-polymer-gcn-53455162966352 (READ-ONLY COPY).

The authoritative reference and input builder live on the scoring server;
editing this copy changes nothing except your own understanding.
"""

import jax, jax.numpy as jnp
import numpy as np

N = 1600000
D = 15
S = 4096
OUT = 5

def setup_inputs(seed: int = 0) -> dict:
    key = jax.random.key(seed)
    k1, k2, k3, k4 = jax.random.split(key, 4)
    x = jax.random.normal(k1, (N, D), dtype=jnp.float32)
    batch = jnp.sort(jax.random.randint(k2, (N,), 0, S)).astype(jnp.int64)
    # learned params of nn.Linear(15, 5)
    W = jax.random.normal(k3, (OUT, D), dtype=jnp.float32) * (1.0 / np.sqrt(D))
    b = jax.random.normal(k4, (OUT,), dtype=jnp.float32) * 0.01
    return {"x": x, "batch": batch, "W": W, "b": b}

def reference(x, batch, W, b):
    # per-graph mean pooling via segment reduce (vectorized form of the python loop)
    sums = jax.ops.segment_sum(x, batch, num_segments=S)
    counts = jax.ops.segment_sum(jnp.ones((x.shape[0],), dtype=x.dtype), batch, num_segments=S)
    mean = sums / jnp.maximum(counts, 1.0)[:, None]
    # graph_features[:15] is identity since D == 15; then Linear(15, 5)
    out = mean[:, :15] @ W.T + b
    # graphs with zero nodes keep the torch.zeros initialization
    out = jnp.where((counts > 0)[:, None], out, 0.0)
    return out

if __name__ == "__main__":
    import jax
    _d = setup_inputs()
    print(jax.jit(kernel)(*tuple(_d.values())))

</pallas_src>

<mosaic_0001>
#map = affine_map<(d0, d1) -> (0)>
#map1 = affine_map<(d0, d1) -> (0, 0)>
module attributes {stable_mosaic.version = 14 : i64} {
  func.func @_sc_body(%arg0: i32, %arg1: i32, %arg2: memref<24000000xf32, #tpu.memory_space<hbm>>, %arg3: memref<1600000xi32, #tpu.memory_space<hbm>>, %arg4: memref<32x65536xf32, #tpu.memory_space<hbm>>, %arg5: memref<30016xf32, #tpu.memory_space<vmem>>, %arg6: memref<2000xi32, #tpu.memory_space<vmem>>, %arg7: memref<65536xf32, #tpu.memory_space<vmem>>) attributes {dimension_semantics = [#tpu.dimension_semantics<core_parallel>, #tpu.dimension_semantics<subcore_parallel>], iteration_bounds = array<i64: 2, 16>, scalar_prefetch = 0 : i64, scratch_operands = 3 : i64, tpu.core_type = #tpu.core_type<sc_vector_subcore>, window_params = [{transform_indices = #map}, {transform_indices = #map}, {transform_indices = #map1}]} {
    %mul3A = arith.constant 2 : i32
    %mul3A_0 = arith.muli %arg1, %mul3A : i32
    %add3A = arith.addi %mul3A_0, %arg0 : i32
    %mul3A_1 = arith.constant 50000 : i32
    %mul3A_2 = arith.muli %add3A, %mul3A_1 : i32
    %iota3A = tpu.iota {dimensions = array<i32: 0>} : vector<16xi32>
    %lt3A = arith.constant 15 : i32
    %lt3A_3 = vector.broadcast %lt3A : i32 to vector<16xi32>
    %lt3A_4 = arith.cmpi slt, %iota3A, %lt3A_3 : vector<16xi32>
    %broadcast_in_dim3A = arith.constant 1.000000e+00 : f32
    %broadcast_in_dim3A_5 = vector.broadcast %broadcast_in_dim3A : f32 to vector<16xf32>
    %broadcast_in_dim3A_6 = arith.constant 0.000000e+00 : f32
    %broadcast_in_dim3A_7 = vector.broadcast %broadcast_in_dim3A_6 : f32 to vector<16xf32>
    %parallel_loop3A = arith.constant 0 : i32
    %parallel_loop3A_8 = arith.constant 65536 : i32
    %parallel_loop3A_9 = arith.constant 16 : i32
    scf.for %parallel_loop3A_16 = %parallel_loop3A to %parallel_loop3A_8 step %parallel_loop3A_9  : i32 {
      %parallel_loop3A_17 = arith.index_cast %parallel_loop3A_16 : i32 to index
      %parallel_loop3A_18 = tpu.vector_load %arg7[%parallel_loop3A_17] {strides = array<i32>} : memref<65536xf32, #tpu.memory_space<vmem>>, vector<16xf32>,
      tpu.vector_store %arg7[%parallel_loop3A_17], %broadcast_in_dim3A_7 {strides = array<i32>} : memref<65536xf32, #tpu.memory_space<vmem>>, vector<16xf32>,
    } {sc.loop_unroll_factor = 4 : i64, sc.parallel_access}
    %scan3A = arith.constant 0 : i32
    %scan3A_10 = arith.constant 0 : i32
    %scan3A_11 = arith.constant 25 : i32
    %scan3A_12 = arith.addi %scan3A_10, %scan3A_11 : i32
    %scan3A_13 = arith.constant 1 : i32
    %scan3A_14 = scf.for %scan3A_16 = %scan3A_10 to %scan3A_12 step %scan3A_13 iter_args(%scan3A_17 = %scan3A) -> (i32)  : i32 {
      %mul3A_18 = arith.constant 2000 : i32
      %mul3A_19 = arith.muli %scan3A_16, %mul3A_18 : i32
      %add3A_20 = arith.addi %mul3A_2, %mul3A_19 : i32
      %mul3A_21 = arith.constant 15 : i32
      %mul3A_22 = arith.muli %add3A_20, %mul3A_21 : i32
      "tpu.region"() ({
        %run_scoped3A = tpu.sem_alloc : memref<!tpu.dma_semaphore, #tpu.memory_space<semaphore_mem>>
        %dma_start3A = arith.constant 0 : i32
        %dma_start3A_27 = tpu.memref_slice %arg5[%dma_start3A] : memref<30016xf32, #tpu.memory_space<vmem>> -> memref<30000xf32, #tpu.memory_space<vmem>>
        %dma_start3A_28 = tpu.memref_slice %arg2[%mul3A_22] : memref<24000000xf32, #tpu.memory_space<hbm>> -> memref<30000xf32, #tpu.memory_space<hbm>>
        %dma_start3A_29 = arith.constant 0 : i32
        %dma_start3A_30 = tpu.memref_slice %arg5[%dma_start3A_29] : memref<30016xf32, #tpu.memory_space<vmem>> -> memref<30000xf32, #tpu.memory_space<vmem>>
        %dma_start3A_31 = tpu.memref_slice %arg2[%mul3A_22] : memref<24000000xf32, #tpu.memory_space<hbm>> -> memref<30000xf32, #tpu.memory_space<hbm>>
        tpu.enqueue_dma source(%dma_start3A_31 : memref<30000xf32, #tpu.memory_space<hbm>>) target(%dma_start3A_30 : memref<30000xf32, #tpu.memory_space<vmem>>) target_semaphore(%run_scoped3A : memref<!tpu.dma_semaphore, #tpu.memory_space<semaphore_mem>>)
        %dma_wait3A = arith.constant 0 : i32
        %dma_wait3A_32 = tpu.memref_slice %arg5[%dma_wait3A] : memref<30016xf32, #tpu.memory_space<vmem>> -> memref<30000xf32, #tpu.memory_space<vmem>>
        %dma_wait3A_33 = tpu.memref_slice %arg2[%mul3A_22] : memref<24000000xf32, #tpu.memory_space<hbm>> -> memref<30000xf32, #tpu.memory_space<hbm>>
        %dma_wait3A_34 = arith.constant 0 : i32
        %dma_wait3A_35 = tpu.memref_slice %arg5[%dma_wait3A_34] : memref<30016xf32, #tpu.memory_space<vmem>> -> memref<30000xf32, #tpu.memory_space<vmem>>
        %dma_wait3A_36 = tpu.memref_slice %arg2[%mul3A_22] : memref<24000000xf32, #tpu.memory_space<hbm>> -> memref<30000xf32, #tpu.memory_space<hbm>>
        tpu.wait_dma2 semaphore(%run_scoped3A : memref<!tpu.dma_semaphore, #tpu.memory_space<semaphore_mem>>) src(%dma_wait3A_36 : memref<30000xf32, #tpu.memory_space<hbm>>) dst(%dma_wait3A_35 : memref<30000xf32, #tpu.memory_space<vmem>>)
        tpu.yield
      }) : () -> ()
      "tpu.region"() ({
        %run_scoped3A = tpu.sem_alloc : memref<!tpu.dma_semaphore, #tpu.memory_space<semaphore_mem>>
        %dma_start3A = tpu.memref_slice %arg3[%add3A_20] : memref<1600000xi32, #tpu.memory_space<hbm>> -> memref<2000xi32, #tpu.memory_space<hbm>>
        %dma_start3A_27 = tpu.memref_slice %arg3[%add3A_20] : memref<1600000xi32, #tpu.memory_space<hbm>> -> memref<2000xi32, #tpu.memory_space<hbm>>
        tpu.enqueue_dma source(%dma_start3A_27 : memref<2000xi32, #tpu.memory_space<hbm>>) target(%arg6 : memref<2000xi32, #tpu.memory_space<vmem>>) target_semaphore(%run_scoped3A : memref<!tpu.dma_semaphore, #tpu.memory_space<semaphore_mem>>)
        %dma_wait3A = tpu.memref_slice %arg3[%add3A_20] : memref<1600000xi32, #tpu.memory_space<hbm>> -> memref<2000xi32, #tpu.memory_space<hbm>>
        %dma_wait3A_28 = tpu.memref_slice %arg3[%add3A_20] : memref<1600000xi32, #tpu.memory_space<hbm>> -> memref<2000xi32, #tpu.memory_space<hbm>>
        tpu.wait_dma2 semaphore(%run_scoped3A : memref<!tpu.dma_semaphore, #tpu.memory_space<semaphore_mem>>) src(%dma_wait3A_28 : memref<2000xi32, #tpu.memory_space<hbm>>) dst(%arg6 : memref<2000xi32, #tpu.memory_space<vmem>>)
        tpu.yield
      }) : () -> ()
      %parallel_loop3A_23 = arith.constant 0 : i32
      %parallel_loop3A_24 = arith.constant 125 : i32
      %parallel_loop3A_25 = arith.constant 1 : i32
      scf.for %parallel_loop3A_27 = %parallel_loop3A_23 to %parallel_loop3A_24 step %parallel_loop3A_25  : i32 {
        %parallel_loop3A_28 = arith.constant 16 : i32
        %parallel_loop3A_29 = arith.muli %parallel_loop3A_27, %parallel_loop3A_28 : i32
        %parallel_loop3A_30 = arith.index_cast %parallel_loop3A_29 : i32 to index
        %parallel_loop3A_31 = tpu.vector_load %arg6[%parallel_loop3A_30] {strides = array<i32>} : memref<2000xi32, #tpu.memory_space<vmem>>, vector<16xi32>,
        %parallel_loop3A_32 = arith.constant 16 : i32
        %parallel_loop3A_33 = vector.broadcast %parallel_loop3A_32 : i32 to vector<16xi32>
        %parallel_loop3A_34 = arith.muli %parallel_loop3A_31, %parallel_loop3A_33 : vector<16xi32>
        %parallel_loop3A_35 = arith.constant 0 : i32
        %parallel_loop3A_36 = arith.addi %parallel_loop3A_29, %parallel_loop3A_35 : i32
        %parallel_loop3A_37 = arith.constant 15 : i32
        %parallel_loop3A_38 = arith.muli %parallel_loop3A_36, %parallel_loop3A_37 : i32
        %parallel_loop3A_39 = arith.index_cast %parallel_loop3A_38 : i32 to index
        %parallel_loop3A_40 = tpu.vector_load %arg5[%parallel_loop3A_39] {strides = array<i32>} : memref<30016xf32, #tpu.memory_space<vmem>>, vector<16xf32>,
        %parallel_loop3A_41 = arith.select %lt3A_4, %parallel_loop3A_40, %broadcast_in_dim3A_5 : vector<16xi1>, vector<16xf32>
        %parallel_loop3A_42 = vector.extract_strided_slice %parallel_loop3A_34 {offsets = [0], sizes = [1], strides = [1]} : vector<16xi32> to vector<1xi32>
        %parallel_loop3A_43 = vector.extract %parallel_loop3A_42[0] : i32 from vector<1xi32>
        %parallel_loop3A_44 = vector.broadcast %parallel_loop3A_43 : i32 to vector<16xi32>
        %parallel_loop3A_45 = arith.addi %parallel_loop3A_44, %iota3A : vector<16xi32>
        tpu.vector_store_idx %arg7[%parallel_loop3A_45], %parallel_loop3A_41 {add = true} : memref<65536xf32, #tpu.memory_space<vmem>>[vector<16xi32>], vector<16xf32>,
        %parallel_loop3A_46 = arith.constant 1 : i32
        %parallel_loop3A_47 = arith.addi %parallel_loop3A_29, %parallel_loop3A_46 : i32
        %parallel_loop3A_48 = arith.constant 15 : i32
        %parallel_loop3A_49 = arith.muli %parallel_loop3A_47, %parallel_loop3A_48 : i32
        %parallel_loop3A_50 = arith.index_cast %parallel_loop3A_49 : i32 to index
        %parallel_loop3A_51 = tpu.vector_load %arg5[%parallel_loop3A_50] {strides = array<i32>} : memref<30016xf32, #tpu.memory_space<vmem>>, vector<16xf32>,
        %parallel_loop3A_52 = arith.select %lt3A_4, %parallel_loop3A_51, %broadcast_in_dim3A_5 : vector<16xi1>, vector<16xf32>
        %parallel_loop3A_53 = vector.extract_strided_slice %parallel_loop3A_34 {offsets = [1], sizes = [1], strides = [1]} : vector<16xi32> to vector<1xi32>
        %parallel_loop3A_54 = vector.extract %parallel_loop3A_53[0] : i32 from vector<1xi32>
        %parallel_loop3A_55 = vector.broadcast %parallel_loop3A_54 : i32 to vector<16xi32>
        %parallel_loop3A_56 = arith.addi %parallel_loop3A_55, %iota3A : vector<16xi32>
        tpu.vector_store_idx %arg7[%parallel_loop3A_56], %parallel_loop3A_52 {add = true} : memref<65536xf32, #tpu.memory_space<vmem>>[vector<16xi32>], vector<16xf32>,
        %parallel_loop3A_57 = arith.constant 2 : i32
        %parallel_loop3A_58 = arith.addi %parallel_loop3A_29, %parallel_loop3A_57 : i32
        %parallel_loop3A_59 = arith.constant 15 : i32
        %parallel_loop3A_60 = arith.muli %parallel_loop3A_58, %parallel_loop3A_59 : i32
        %parallel_loop3A_61 = arith.index_cast %parallel_loop3A_60 : i32 to index
        %parallel_loop3A_62 = tpu.vector_load %arg5[%parallel_loop3A_61] {strides = array<i32>} : memref<30016xf32, #tpu.memory_space<vmem>>, vector<16xf32>,
        %parallel_loop3A_63 = arith.select %lt3A_4, %parallel_loop3A_62, %broadcast_in_dim3A_5 : vector<16xi1>, vector<16xf32>
        %parallel_loop3A_64 = vector.extract_strided_slice %parallel_loop3A_34 {offsets = [2], sizes = [1], strides = [1]} : vector<16xi32> to vector<1xi32>
        %parallel_loop3A_65 = vector.extract %parallel_loop3A_64[0] : i32 from vector<1xi32>
        %parallel_loop3A_66 = vector.broadcast %parallel_loop3A_65 : i32 to vector<16xi32>
        %parallel_loop3A_67 = arith.addi %parallel_loop3A_66, %iota3A : vector<16xi32>
        tpu.vector_store_idx %arg7[%parallel_loop3A_67], %parallel_loop3A_63 {add = true} : memref<65536xf32, #tpu.memory_space<vmem>>[vector<16xi32>], vector<16xf32>,
        %parallel_loop3A_68 = arith.constant 3 : i32
        %parallel_loop3A_69 = arith.addi %parallel_loop3A_29, %parallel_loop3A_68 : i32
        %parallel_loop3A_70 = arith.constant 15 : i32
        %parallel_loop3A_71 = arith.muli %parallel_loop3A_69, %parallel_loop3A_70 : i32
        %parallel_loop3A_72 = arith.index_cast %parallel_loop3A_71 : i32 to index
        %parallel_loop3A_73 = tpu.vector_load %arg5[%parallel_loop3A_72] {strides = array<i32>} : memref<30016xf32, #tpu.memory_space<vmem>>, vector<16xf32>,
        %parallel_loop3A_74 = arith.select %lt3A_4, %parallel_loop3A_73, %broadcast_in_dim3A_5 : vector<16xi1>, vector<16xf32>
        %parallel_loop3A_75 = vector.extract_strided_slice %parallel_loop3A_34 {offsets = [3], sizes = [1], strides = [1]} : vector<16xi32> to vector<1xi32>
        %parallel_loop3A_76 = vector.extract %parallel_loop3A_75[0] : i32 from vector<1xi32>
        %parallel_loop3A_77 = vector.broadcast %parallel_loop3A_76 : i32 to vector<16xi32>
        %parallel_loop3A_78 = arith.addi %parallel_loop3A_77, %iota3A : vector<16xi32>
        tpu.vector_store_idx %arg7[%parallel_loop3A_78], %parallel_loop3A_74 {add = true} : memref<65536xf32, #tpu.memory_space<vmem>>[vector<16xi32>], vector<16xf32>,
        %parallel_loop3A_79 = arith.constant 4 : i32
        %parallel_loop3A_80 = arith.addi %parallel_loop3A_29, %parallel_loop3A_79 : i32
        %parallel_loop3A_81 = arith.constant 15 : i32
        %parallel_loop3A_82 = arith.muli %parallel_loop3A_80, %parallel_loop3A_81 : i32
        %parallel_loop3A_83 = arith.index_cast %parallel_loop3A_82 : i32 to index
        %parallel_loop3A_84 = tpu.vector_load %arg5[%parallel_loop3A_83] {strides = array<i32>} : memref<30016xf32, #tpu.memory_space<vmem>>, vector<16xf32>,
        %parallel_loop3A_85 = arith.select %lt3A_4, %parallel_loop3A_84, %broadcast_in_dim3A_5 : vector<16xi1>, vector<16xf32>
        %parallel_loop3A_86 = vector.extract_strided_slice %parallel_loop3A_34 {offsets = [4], sizes = [1], strides = [1]} : vector<16xi32> to vector<1xi32>
        %parallel_loop3A_87 = vector.extract %parallel_loop3A_86[0] : i32 from vector<1xi32>
        %parallel_loop3A_88 = vector.broadcast %parallel_loop3A_87 : i32 to vector<16xi32>
        %parallel_loop3A_89 = arith.addi %parallel_loop3A_88, %iota3A : vector<16xi32>
        tpu.vector_store_idx %arg7[%parallel_loop3A_89], %parallel_loop3A_85 {add = true} : memref<65536xf32, #tpu.memory_space<vmem>>[vector<16xi32>], vector<16xf32>,
        %parallel_loop3A_90 = arith.constant 5 : i32
        %parallel_loop3A_91 = arith.addi %parallel_loop3A_29, %parallel_loop3A_90 : i32
        %parallel_loop3A_92 = arith.constant 15 : i32
        %parallel_loop3A_93 = arith.muli %parallel_loop3A_91, %parallel_loop3A_92 : i32
        %parallel_loop3A_94 = arith.index_cast %parallel_loop3A_93 : i32 to index
        %parallel_loop3A_95 = tpu.vector_load %arg5[%parallel_loop3A_94] {strides = array<i32>} : memref<30016xf32, #tpu.memory_space<vmem>>, vector<16xf32>,
        %parallel_loop3A_96 = arith.select %lt3A_4, %parallel_loop3A_95, %broadcast_in_dim3A_5 : vector<16xi1>, vector<16xf32>
        %parallel_loop3A_97 = vector.extract_strided_slice %parallel_loop3A_34 {offsets = [5], sizes = [1], strides = [1]} : vector<16xi32> to vector<1xi32>
        %parallel_loop3A_98 = vector.extract %parallel_loop3A_97[0] : i32 from vector<1xi32>
        %parallel_loop3A_99 = vector.broadcast %parallel_loop3A_98 : i32 to vector<16xi32>
        %parallel_loop3A_100 = arith.addi %parallel_loop3A_99, %iota3A : vector<16xi32>
        tpu.vector_store_idx %arg7[%parallel_loop3A_100], %parallel_loop3A_96 {add = true} : memref<65536xf32, #tpu.memory_space<vmem>>[vector<16xi32>], vector<16xf32>,
        %parallel_loop3A_101 = arith.constant 6 : i32
        %parallel_loop3A_102 = arith.addi %parallel_loop3A_29, %parallel_loop3A_101 : i32
        %parallel_loop3A_103 = arith.constant 15 : i32
        %parallel_loop3A_104 = arith.muli %parallel_loop3A_102, %parallel_loop3A_103 : i32
        %parallel_loop3A_105 = arith.index_cast %parallel_loop3A_104 : i32 to index
        %parallel_loop3A_106 = tpu.vector_load %arg5[%parallel_loop3A_105] {strides = array<i32>} : memref<30016xf32, #tpu.memory_space<vmem>>, vector<16xf32>,
        %parallel_loop3A_107 = arith.select %lt3A_4, %parallel_loop3A_106, %broadcast_in_dim3A_5 : vector<16xi1>, vector<16xf32>
        %parallel_loop3A_108 = vector.extract_strided_slice %parallel_loop3A_34 {offsets = [6], sizes = [1], strides = [1]} : vector<16xi32> to vector<1xi32>
        %parallel_loop3A_109 = vector.extract %parallel_loop3A_108[0] : i32 from vector<1xi32>
        %parallel_loop3A_110 = vector.broadcast %parallel_loop3A_109 : i32 to vector<16xi32>
        %parallel_loop3A_111 = arith.addi %parallel_loop3A_110, %iota3A : vector<16xi32>
        tpu.vector_store_idx %arg7[%parallel_loop3A_111], %parallel_loop3A_107 {add = true} : memref<65536xf32, #tpu.memory_space<vmem>>[vector<16xi32>], vector<16xf32>,
        %parallel_loop3A_112 = arith.constant 7 : i32
        %parallel_loop3A_113 = arith.addi %parallel_loop3A_29, %parallel_loop3A_112 : i32
        %parallel_loop3A_114 = arith.constant 15 : i32
        %parallel_loop3A_115 = arith.muli %parallel_loop3A_113, %parallel_loop3A_114 : i32
        %parallel_loop3A_116 = arith.index_cast %parallel_loop3A_115 : i32 to index
        %parallel_loop3A_117 = tpu.vector_load %arg5[%parallel_loop3A_116] {strides = array<i32>} : memref<30016xf32, #tpu.memory_space<vmem>>, vector<16xf32>,
        %parallel_loop3A_118 = arith.select %lt3A_4, %parallel_loop3A_117, %broadcast_in_dim3A_5 : vector<16xi1>, vector<16xf32>
        %parallel_loop3A_119 = vector.extract_strided_slice %parallel_loop3A_34 {offsets = [7], sizes = [1], strides = [1]} : vector<16xi32> to vector<1xi32>
        %parallel_loop3A_120 = vector.extract %parallel_loop3A_119[0] : i32 from vector<1xi32>
        %parallel_loop3A_121 = vector.broadcast %parallel_loop3A_120 : i32 to vector<16xi32>
        %parallel_loop3A_122 = arith.addi %parallel_loop3A_121, %iota3A : vector<16xi32>
        tpu.vector_store_idx %arg7[%parallel_loop3A_122], %parallel_loop3A_118 {add = true} : memref<65536xf32, #tpu.memory_space<vmem>>[vector<16xi32>], vector<16xf32>,
        %parallel_loop3A_123 = arith.constant 8 : i32
        %parallel_loop3A_124 = arith.addi %parallel_loop3A_29, %parallel_loop3A_123 : i32
        %parallel_loop3A_125 = arith.constant 15 : i32
        %parallel_loop3A_126 = arith.muli %parallel_loop3A_124, %parallel_loop3A_125 : i32
        %parallel_loop3A_127 = arith.index_cast %parallel_loop3A_126 : i32 to index
        %parallel_loop3A_128 = tpu.vector_load %arg5[%parallel_loop3A_127] {strides = array<i32>} : memref<30016xf32, #tpu.memory_space<vmem>>, vector<16xf32>,
        %parallel_loop3A_129 = arith.select %lt3A_4, %parallel_loop3A_128, %broadcast_in_dim3A_5 : vector<16xi1>, vector<16xf32>
        %parallel_loop3A_130 = vector.extract_strided_slice %parallel_loop3A_34 {offsets = [8], sizes = [1], strides = [1]} : vector<16xi32> to vector<1xi32>
        %parallel_loop3A_131 = vector.extract %parallel_loop3A_130[0] : i32 from vector<1xi32>
        %parallel_loop3A_132 = vector.broadcast %parallel_loop3A_131 : i32 to vector<16xi32>
        %parallel_loop3A_133 = arith.addi %parallel_loop3A_132, %iota3A : vector<16xi32>
        tpu.vector_store_idx %arg7[%parallel_loop3A_133], %parallel_loop3A_129 {add = true} : memref<65536xf32, #tpu.memory_space<vmem>>[vector<16xi32>], vector<16xf32>,
        %parallel_loop3A_134 = arith.constant 9 : i32
        %parallel_loop3A_135 = arith.addi %parallel_loop3A_29, %parallel_loop3A_134 : i32
        %parallel_loop3A_136 = arith.constant 15 : i32
        %parallel_loop3A_137 = arith.muli %parallel_loop3A_135, %parallel_loop3A_136 : i32
        %parallel_loop3A_138 = arith.index_cast %parallel_loop3A_137 : i32 to index
        %parallel_loop3A_139 = tpu.vector_load %arg5[%parallel_loop3A_138] {strides = array<i32>} : memref<30016xf32, #tpu.memory_space<vmem>>, vector<16xf32>,
        %parallel_loop3A_140 = arith.select %lt3A_4, %parallel_loop3A_139, %broadcast_in_dim3A_5 : vector<16xi1>, vector<16xf32>
        %parallel_loop3A_141 = vector.extract_strided_slice %parallel_loop3A_34 {offsets = [9], sizes = [1], strides = [1]} : vector<16xi32> to vector<1xi32>
        %parallel_loop3A_142 = vector.extract %parallel_loop3A_141[0] : i32 from vector<1xi32>
        %parallel_loop3A_143 = vector.broadcast %parallel_loop3A_142 : i32 to vector<16xi32>
        %parallel_loop3A_144 = arith.addi %parallel_loop3A_143, %iota3A : vector<16xi32>
        tpu.vector_store_idx %arg7[%parallel_loop3A_144], %parallel_loop3A_140 {add = true} : memref<65536xf32, #tpu.memory_space<vmem>>[vector<16xi32>], vector<16xf32>,
        %parallel_loop3A_145 = arith.constant 10 : i32
        %parallel_loop3A_146 = arith.addi %parallel_loop3A_29, %parallel_loop3A_145 : i32
        %parallel_loop3A_147 = arith.constant 15 : i32
        %parallel_loop3A_148 = arith.muli %parallel_loop3A_146, %parallel_loop3A_147 : i32
        %parallel_loop3A_149 = arith.index_cast %parallel_loop3A_148 : i32 to index
        %parallel_loop3A_150 = tpu.vector_load %arg5[%parallel_loop3A_149] {strides = array<i32>} : memref<30016xf32, #tpu.memory_space<vmem>>, vector<16xf32>,
        %parallel_loop3A_151 = arith.select %lt3A_4, %parallel_loop3A_150, %broadcast_in_dim3A_5 : vector<16xi1>, vector<16xf32>
        %parallel_loop3A_152 = vector.extract_strided_slice %parallel_loop3A_34 {offsets = [10], sizes = [1], strides = [1]} : vector<16xi32> to vector<1xi32>
        %parallel_loop3A_153 = vector.extract %parallel_loop3A_152[0] : i32 from vector<1xi32>
        %parallel_loop3A_154 = vector.broadcast %parallel_loop3A_153 : i32 to vector<16xi32>
        %parallel_loop3A_155 = arith.addi %parallel_loop3A_154, %iota3A : vector<16xi32>
        tpu.vector_store_idx %arg7[%parallel_loop3A_155], %parallel_loop3A_151 {add = true} : memref<65536xf32, #tpu.memory_space<vmem>>[vector<16xi32>], vector<16xf32>,
        %parallel_loop3A_156 = arith.constant 11 : i32
        %parallel_loop3A_157 = arith.addi %parallel_loop3A_29, %parallel_loop3A_156 : i32
        %parallel_loop3A_158 = arith.constant 15 : i32
        %parallel_loop3A_159 = arith.muli %parallel_loop3A_157, %parallel_loop3A_158 : i32
        %parallel_loop3A_160 = arith.index_cast %parallel_loop3A_159 : i32 to index
        %parallel_loop3A_161 = tpu.vector_load %arg5[%parallel_loop3A_160] {strides = array<i32>} : memref<30016xf32, #tpu.memory_space<vmem>>, vector<16xf32>,
        %parallel_loop3A_162 = arith.select %lt3A_4, %parallel_loop3A_161, %broadcast_in_dim3A_5 : vector<16xi1>, vector<16xf32>
        %parallel_loop3A_163 = vector.extract_strided_slice %parallel_loop3A_34 {offsets = [11], sizes = [1], strides = [1]} : vector<16xi32> to vector<1xi32>
        %parallel_loop3A_164 = vector.extract %parallel_loop3A_163[0] : i32 from vector<1xi32>
        %parallel_loop3A_165 = vector.broadcast %parallel_loop3A_164 : i32 to vector<16xi32>
        %parallel_loop3A_166 = arith.addi %parallel_loop3A_165, %iota3A : vector<16xi32>
        tpu.vector_store_idx %arg7[%parallel_loop3A_166], %parallel_loop3A_162 {add = true} : memref<65536xf32, #tpu.memory_space<vmem>>[vector<16xi32>], vector<16xf32>,
        %parallel_loop3A_167 = arith.constant 12 : i32
        %parallel_loop3A_168 = arith.addi %parallel_loop3A_29, %parallel_loop3A_167 : i32
        %parallel_loop3A_169 = arith.constant 15 : i32
        %parallel_loop3A_170 = arith.muli %parallel_loop3A_168, %parallel_loop3A_169 : i32
        %parallel_loop3A_171 = arith.index_cast %parallel_loop3A_170 : i32 to index
        %parallel_loop3A_172 = tpu.vector_load %arg5[%parallel_loop3A_171] {strides = array<i32>} : memref<30016xf32, #tpu.memory_space<vmem>>, vector<16xf32>,
        %parallel_loop3A_173 = arith.select %lt3A_4, %parallel_loop3A_172, %broadcast_in_dim3A_5 : vector<16xi1>, vector<16xf32>
        %parallel_loop3A_174 = vector.extract_strided_slice %parallel_loop3A_34 {offsets = [12], sizes = [1], strides = [1]} : vector<16xi32> to vector<1xi32>
        %parallel_loop3A_175 = vector.extract %parallel_loop3A_174[0] : i32 from vector<1xi32>
        %parallel_loop3A_176 = vector.broadcast %parallel_loop3A_175 : i32 to vector<16xi32>
        %parallel_loop3A_177 = arith.addi %parallel_loop3A_176, %iota3A : vector<16xi32>
        tpu.vector_store_idx %arg7[%parallel_loop3A_177], %parallel_loop3A_173 {add = true} : memref<65536xf32, #tpu.memory_space<vmem>>[vector<16xi32>], vector<16xf32>,
        %parallel_loop3A_178 = arith.constant 13 : i32
        %parallel_loop3A_179 = arith.addi %parallel_loop3A_29, %parallel_loop3A_178 : i32
        %parallel_loop3A_180 = arith.constant 15 : i32
        %parallel_loop3A_181 = arith.muli %parallel_loop3A_179, %parallel_loop3A_180 : i32
        %parallel_loop3A_182 = arith.index_cast %parallel_loop3A_181 : i32 to index
        %parallel_loop3A_183 = tpu.vector_load %arg5[%parallel_loop3A_182] {strides = array<i32>} : memref<30016xf32, #tpu.memory_space<vmem>>, vector<16xf32>,
        %parallel_loop3A_184 = arith.select %lt3A_4, %parallel_loop3A_183, %broadcast_in_dim3A_5 : vector<16xi1>, vector<16xf32>
        %parallel_loop3A_185 = vector.extract_strided_slice %parallel_loop3A_34 {offsets = [13], sizes = [1], strides = [1]} : vector<16xi32> to vector<1xi32>
        %parallel_loop3A_186 = vector.extract %parallel_loop3A_185[0] : i32 from vector<1xi32>
        %parallel_loop3A_187 = vector.broadcast %parallel_loop3A_186 : i32 to vector<16xi32>
        %parallel_loop3A_188 = arith.addi %parallel_loop3A_187, %iota3A : vector<16xi32>
        tpu.vector_store_idx %arg7[%parallel_loop3A_188], %parallel_loop3A_184 {add = true} : memref<65536xf32, #tpu.memory_space<vmem>>[vector<16xi32>], vector<16xf32>,
        %parallel_loop3A_189 = arith.constant 14 : i32
        %parallel_loop3A_190 = arith.addi %parallel_loop3A_29, %parallel_loop3A_189 : i32
        %parallel_loop3A_191 = arith.constant 15 : i32
        %parallel_loop3A_192 = arith.muli %parallel_loop3A_190, %parallel_loop3A_191 : i32
        %parallel_loop3A_193 = arith.index_cast %parallel_loop3A_192 : i32 to index
        %parallel_loop3A_194 = tpu.vector_load %arg5[%parallel_loop3A_193] {strides = array<i32>} : memref<30016xf32, #tpu.memory_space<vmem>>, vector<16xf32>,
        %parallel_loop3A_195 = arith.select %lt3A_4, %parallel_loop3A_194, %broadcast_in_dim3A_5 : vector<16xi1>, vector<16xf32>
        %parallel_loop3A_196 = vector.extract_strided_slice %parallel_loop3A_34 {offsets = [14], sizes = [1], strides = [1]} : vector<16xi32> to vector<1xi32>
        %parallel_loop3A_197 = vector.extract %parallel_loop3A_196[0] : i32 from vector<1xi32>
        %parallel_loop3A_198 = vector.broadcast %parallel_loop3A_197 : i32 to vector<16xi32>
        %parallel_loop3A_199 = arith.addi %parallel_loop3A_198, %iota3A : vector<16xi32>
        tpu.vector_store_idx %arg7[%parallel_loop3A_199], %parallel_loop3A_195 {add = true} : memref<65536xf32, #tpu.memory_space<vmem>>[vector<16xi32>], vector<16xf32>,
        %parallel_loop3A_200 = arith.constant 15 : i32
        %parallel_loop3A_201 = arith.addi %parallel_loop3A_29, %parallel_loop3A_200 : i32
        %parallel_loop3A_202 = arith.constant 15 : i32
        %parallel_loop3A_203 = arith.muli %parallel_loop3A_201, %parallel_loop3A_202 : i32
        %parallel_loop3A_204 = arith.index_cast %parallel_loop3A_203 : i32 to index
        %parallel_loop3A_205 = tpu.vector_load %arg5[%parallel_loop3A_204] {strides = array<i32>} : memref<30016xf32, #tpu.memory_space<vmem>>, vector<16xf32>,
        %parallel_loop3A_206 = arith.select %lt3A_4, %parallel_loop3A_205, %broadcast_in_dim3A_5 : vector<16xi1>, vector<16xf32>
        %parallel_loop3A_207 = vector.extract_strided_slice %parallel_loop3A_34 {offsets = [15], sizes = [1], strides = [1]} : vector<16xi32> to vector<1xi32>
        %parallel_loop3A_208 = vector.extract %parallel_loop3A_207[0] : i32 from vector<1xi32>
        %parallel_loop3A_209 = vector.broadcast %parallel_loop3A_208 : i32 to vector<16xi32>
        %parallel_loop3A_210 = arith.addi %parallel_loop3A_209, %iota3A : vector<16xi32>
        tpu.vector_store_idx %arg7[%parallel_loop3A_210], %parallel_loop3A_206 {add = true} : memref<65536xf32, #tpu.memory_space<vmem>>[vector<16xi32>], vector<16xf32>,
      } {sc.loop_unroll_factor = 2 : i64, sc.parallel_access}
      %scan3A_26 = arith.constant 0 : i32
      scf.yield %scan3A_26 : i32
    }
    %scan3A_15 = arith.constant 25 : i32
    "tpu.region"() ({
      %run_scoped3A = tpu.sem_alloc : memref<!tpu.dma_semaphore, #tpu.memory_space<semaphore_mem>>
      %dma_start3A = arith.constant 0 : i32
      %dma_start3A_16 = tpu.memref_slice %arg4[%add3A, %dma_start3A] : memref<32x65536xf32, #tpu.memory_space<hbm>> -> memref<1x65536xf32, #tpu.memory_space<hbm>>
      %dma_start3A_17 = tpu.memref_squeeze %dma_start3A_16 : memref<1x65536xf32, #tpu.memory_space<hbm>> -> memref<65536xf32, #tpu.memory_space<hbm>>
      %dma_start3A_18 = arith.constant 0 : i32
      %dma_start3A_19 = tpu.memref_slice %arg4[%add3A, %dma_start3A_18] : memref<32x65536xf32, #tpu.memory_space<hbm>> -> memref<1x65536xf32, #tpu.memory_space<hbm>>
      %dma_start3A_20 = tpu.memref_squeeze %dma_start3A_19 : memref<1x65536xf32, #tpu.memory_space<hbm>> -> memref<65536xf32, #tpu.memory_space<hbm>>
      tpu.enqueue_dma source(%arg7 : memref<65536xf32, #tpu.memory_space<vmem>>) target(%dma_start3A_20 : memref<65536xf32, #tpu.memory_space<hbm>>) target_semaphore(%run_scoped3A : memref<!tpu.dma_semaphore, #tpu.memory_space<semaphore_mem>>)
      %dma_wait3A = arith.constant 0 : i32
      %dma_wait3A_21 = tpu.memref_slice %arg4[%add3A, %dma_wait3A] : memref<32x65536xf32, #tpu.memory_space<hbm>> -> memref<1x65536xf32, #tpu.memory_space<hbm>>
      %dma_wait3A_22 = tpu.memref_squeeze %dma_wait3A_21 : memref<1x65536xf32, #tpu.memory_space<hbm>> -> memref<65536xf32, #tpu.memory_space<hbm>>
      %dma_wait3A_23 = arith.constant 0 : i32
      %dma_wait3A_24 = tpu.memref_slice %arg4[%add3A, %dma_wait3A_23] : memref<32x65536xf32, #tpu.memory_space<hbm>> -> memref<1x65536xf32, #tpu.memory_space<hbm>>
      %dma_wait3A_25 = tpu.memref_squeeze %dma_wait3A_24 : memref<1x65536xf32, #tpu.memory_space<hbm>> -> memref<65536xf32, #tpu.memory_space<hbm>>
      tpu.wait_dma2 semaphore(%run_scoped3A : memref<!tpu.dma_semaphore, #tpu.memory_space<semaphore_mem>>) src(%arg7 : memref<65536xf32, #tpu.memory_space<vmem>>) dst(%dma_wait3A_25 : memref<65536xf32, #tpu.memory_space<hbm>>)
      tpu.yield
    }) : () -> ()
    return
  }
}

module attributes {stable_mosaic.version = 14 : i64} {
  func.func @_tc_tail_body(%arg0: i32, %arg1: memref<1x4096x16xf32, #tpu.memory_space<vmem>>, %arg2: memref<5x15xf32, #tpu.memory_space<vmem>>, %arg3: memref<5xf32, #tpu.memory_space<vmem>>, %arg4: memref<4096x5xf32, #tpu.memory_space<vmem>>, %arg5: memref<4096x16xf32, #tpu.memory_space<vmem>>) attributes {dimension_semantics = [#tpu.dimension_semantics<arbitrary>], iteration_bounds = array<i64: 32>, scalar_prefetch = 0 : i64, scratch_operands = 1 : i64, tpu.core_type = #tpu.core_type<tc>, window_params = [{transform_indices = @transform_0, window_bounds = array<i64: 1, 4096, 16>}, {pipeline_mode = #tpu.pipeline_mode<synchronous>, transform_indices = @transform_1, window_bounds = array<i64: 5, 15>}, {pipeline_mode = #tpu.pipeline_mode<synchronous>, transform_indices = @transform_2, window_bounds = array<i64: 5>}, {pipeline_mode = #tpu.pipeline_mode<synchronous>, transform_indices = @transform_3, window_bounds = array<i64: 4096, 5>}]} {
    %eq3A = arith.constant 0 : i32
    %eq3A_0 = arith.cmpi eq, %arg0, %eq3A : i32
    %convert_element_type3A = arith.extui %eq3A_0 : i1 to i32
    %cond3A = arith.constant 0 : i32
    %cond3A_1 = arith.cmpi ne, %convert_element_type3A, %cond3A : i32
    scf.if %cond3A_1 {
      %get3A = arith.constant 0 : index
      %get3A_11 = arith.constant 0 : index
      %get3A_12 = arith.constant 0 : index
      %get3A_13 = vector.load %arg1[%get3A, %get3A_11, %get3A_12] : memref<1x4096x16xf32, #tpu.memory_space<vmem>>, vector<1x4096x16xf32>
      %get3A_14 = vector.shape_cast %get3A_13 : vector<1x4096x16xf32> to vector<4096x16xf32>
      %swap3A = arith.constant 0 : index
      %swap3A_15 = arith.constant 0 : index
      %swap3A_16 = vector.load %arg5[%swap3A, %swap3A_15] : memref<4096x16xf32, #tpu.memory_space<vmem>>, vector<4096x16xf32>
      tpu.vector_store %arg5[%swap3A, %swap3A_15], %get3A_14 {strides = array<i32>} : memref<4096x16xf32, #tpu.memory_space<vmem>>, vector<4096x16xf32>,
    } else {
    }
    %gt3A = arith.constant 0 : i32
    %gt3A_2 = arith.cmpi sgt, %arg0, %gt3A : i32
    %convert_element_type3A_3 = arith.extui %gt3A_2 : i1 to i32
    %cond3A_4 = arith.constant 0 : i32
    %cond3A_5 = arith.cmpi ne, %convert_element_type3A_3, %cond3A_4 : i32
    scf.if %cond3A_5 {
      %get3A = arith.constant 0 : index
      %get3A_11 = arith.constant 0 : index
      %get3A_12 = vector.load %arg5[%get3A, %get3A_11] : memref<4096x16xf32, #tpu.memory_space<vmem>>, vector<4096x16xf32>
      %get3A_13 = arith.constant 0 : index
      %get3A_14 = arith.constant 0 : index
      %get3A_15 = arith.constant 0 : index
      %get3A_16 = vector.load %arg1[%get3A_13, %get3A_14, %get3A_15] : memref<1x4096x16xf32, #tpu.memory_space<vmem>>, vector<1x4096x16xf32>
      %get3A_17 = vector.shape_cast %get3A_16 : vector<1x4096x16xf32> to vector<4096x16xf32>
      %add3A = arith.addf %get3A_12, %get3A_17 : vector<4096x16xf32>
      %swap3A = arith.constant 0 : index
      %swap3A_18 = arith.constant 0 : index
      %swap3A_19 = vector.load %arg5[%swap3A, %swap3A_18] : memref<4096x16xf32, #tpu.memory_space<vmem>>, vector<4096x16xf32>
      tpu.vector_store %arg5[%swap3A, %swap3A_18], %add3A {strides = array<i32>} : memref<4096x16xf32, #tpu.memory_space<vmem>>, vector<4096x16xf32>,
    } else {
    }
    %eq3A_6 = arith.constant 31 : i32
    %eq3A_7 = arith.cmpi eq, %arg0, %eq3A_6 : i32
    %convert_element_type3A_8 = arith.extui %eq3A_7 : i1 to i32
    %cond3A_9 = arith.constant 0 : i32
    %cond3A_10 = arith.cmpi ne, %convert_element_type3A_8, %cond3A_9 : i32
    scf.if %cond3A_10 {
      %get3A = arith.constant 0 : index
      %get3A_11 = arith.constant 0 : index
      %get3A_12 = vector.load %arg5[%get3A, %get3A_11] : memref<4096x16xf32, #tpu.memory_space<vmem>>, vector<4096x16xf32>
      %slice3A = vector.extract_strided_slice %get3A_12 {offsets = [0, 15], sizes = [4096, 1], strides = [1, 1]} : vector<4096x16xf32> to vector<4096x1xf32>
      %squeeze3A = vector.shape_cast %slice3A : vector<4096x1xf32> to vector<4096xf32>
      %slice3A_13 = vector.extract_strided_slice %get3A_12 {offsets = [0, 0], sizes = [4096, 15], strides = [1, 1]} : vector<4096x16xf32> to vector<4096x15xf32>
      %max3A = arith.constant 1.000000e+00 : f32
      %max3A_14 = vector.broadcast %max3A : f32 to vector<4096xf32>
      %max3A_15 = arith.maximumf %squeeze3A, %max3A_14 : vector<4096xf32>
      %broadcast_in_dim3A = vector.shape_cast %max3A_15 : vector<4096xf32> to vector<4096x1xf32>
      %div3A = vector.broadcast %broadcast_in_dim3A : vector<4096x1xf32> to vector<4096x15xf32>
      %div3A_16 = arith.divf %slice3A_13, %div3A : vector<4096x15xf32>
      %get3A_17 = arith.constant 0 : index
      %get3A_18 = arith.constant 0 : index
      %get3A_19 = vector.load %arg2[%get3A_17, %get3A_18] : memref<5x15xf32, #tpu.memory_space<vmem>>, vector<5x15xf32>
      %dot_general3A = arith.constant dense<0.000000e+00> : vector<4096x5xf32>
      %dot_general3A_20 = tpu.matmul %div3A_16, %get3A_19, %dot_general3A {dimension_numbers = #tpu.dot_dimension_numbers<[1], [1], [0], [0], [0, 0, 1, 0], [], []>, transpose_lhs_hint = false} : vector<4096x15xf32>, vector<5x15xf32>, vector<4096x5xf32> -> vector<4096x5xf32>
      %broadcast_in_dim3A_21 = vector.shape_cast %squeeze3A : vector<4096xf32> to vector<4096x1xf32>
      %gt3A_22 = arith.constant 0.000000e+00 : f32
      %gt3A_23 = vector.broadcast %gt3A_22 : f32 to vector<4096x1xf32>
      %gt3A_24 = arith.cmpf ogt, %broadcast_in_dim3A_21, %gt3A_23 : vector<4096x1xf32>
      %get3A_25 = arith.constant 0 : index
      %get3A_26 = vector.load %arg3[%get3A_25] : memref<5xf32, #tpu.memory_space<vmem>>, vector<5xf32>
      %broadcast_in_dim3A_27 = vector.shape_cast %get3A_26 : vector<5xf32> to vector<1x5xf32>
      %add3A = vector.broadcast %broadcast_in_dim3A_27 : vector<1x5xf32> to vector<4096x5xf32>
      %add3A_28 = arith.addf %dot_general3A_20, %add3A : vector<4096x5xf32>
      %jit3A = arith.constant 0.000000e+00 : f32
      %broadcast_in_dim3A_29 = vector.shape_cast %gt3A_24 : vector<4096x1xi1> to vector<4096x1xi1>
      %broadcast_in_dim3A_30 = vector.broadcast %broadcast_in_dim3A_29 : vector<4096x1xi1> to vector<4096x5xi1>
      %broadcast_in_dim3A_31 = vector.broadcast %jit3A : f32 to vector<4096x5xf32>
      %select_n3A = arith.select %broadcast_in_dim3A_30, %add3A_28, %broadcast_in_dim3A_31 : vector<4096x5xi1>, vector<4096x5xf32>
      %swap3A = arith.constant 0 : index
      %swap3A_32 = arith.constant 0 : index
      %swap3A_33 = vector.load %arg4[%swap3A, %swap3A_32] : memref<4096x5xf32, #tpu.memory_space<vmem>>, vector<4096x5xf32>
      tpu.vector_store %arg4[%swap3A, %swap3A_32], %select_n3A {strides = array<i32>} : memref<4096x5xf32, #tpu.memory_space<vmem>>, vector<4096x5xf32>,
    } else {
    }
    return
  }
  func.func @transform_0(%arg0: i32) -> (i32, i32, i32) {
    %c0_i32 = arith.constant 0 : i32
    %c0_i32_0 = arith.constant 0 : i32
    %c0_i32_1 = arith.constant 0 : i32
    return %arg0, %c0_i32, %c0_i32_0 : i32, i32, i32
  }
  func.func @transform_1(%arg0: i32) -> (i32, i32) {
    %c0_i32 = arith.constant 0 : i32
    %c0_i32_0 = arith.constant 0 : i32
    %c0_i32_1 = arith.constant 0 : i32
    return %c0_i32, %c0_i32_0 : i32, i32
  }
  func.func @transform_2(%arg0: i32) -> i32 {
    %c0_i32 = arith.constant 0 : i32
    %c0_i32_0 = arith.constant 0 : i32
    return %c0_i32 : i32
  }
  func.func @transform_3(%arg0: i32) -> (i32, i32) {
    %c0_i32 = arith.constant 0 : i32
    %c0_i32_0 = arith.constant 0 : i32
    %c0_i32_1 = arith.constant 0 : i32
    return %c0_i32, %c0_i32_0 : i32, i32
  }
}

</mosaic_0001>

<sc_bundles>
// kernel: kernel.4.cloned.1.call-start
scs
__scs_entry_jumppad:
0x0: {  	(pc) =	sbr.rel $0x88, $3  }
0x1: {  	(tag) =	ssettag $0x0;
	lr =	simm.s32 $0x1  }
0x2: {  	[smem:$0x3F9D] =	sst lr;
	_ =	strace $0xD0000000  }
0x3: {  	_ = 	snop  }
0x4: {  	_ = 	snop  }
0x5: {  	_ = 	snop  }
0x6: {  	_ = 	snop  }
0x7: {  	_ = 	snop  }
__scs_overlays_trampoline_lowered:
0x8: {  	[smem:$0x3FAC] =	sst s0  }
0x9: {  	[smem:$0x3FAD] =	sst s1  }
0xa: {  	[smem:$0x3FAE] =	sst s2  }
0xb: {  	[smem:$0x3FAF] =	sst s3  }
0xc: {  	[smem:$0x3FB0] =	sst s4  }
0xd: {  	[smem:$0x3FB1] =	sst s5  }
0xe: {  	[smem:$0x3FB2] =	sst s6  }
0xf: {  	[smem:$0x3FB3] =	sst s7  }
0x10: {  	[smem:$0x3FB4] =	sst s8  }
0x11: {  	[smem:$0x3FB5] =	sst s9;
	s0 =	simm.s32 @!p0 $0x0  }
0x12: {  	s1 =	sld [smem:$0x3F9B];
	s0 =	simm.s32 @p0 $0x1  }
0x13: {  	[smem:$0x3FB6] =	sst s0;
	s0 =	simm.s32 @!p1 $0x0  }
0x14: {  	s2 =	sld [smem:$0x3F9A];
	s0 =	simm.s32 @p1 $0x1  }
0x15: {  	[smem:$0x3FB7] =	sst s0;
	s0 =	simm.s32 @!p2 $0x0  }
0x16: {  	s3 =	sld [smem:$0x3FDB];
	s0 =	simm.s32 @p2 $0x1  }
0x17: {  	s4 =	simm.s32 $0x1BF5;
	[smem:$0x3FB9] =	sst s0  }
0x18: {  	s0 =	sld [smem:$0x3F9C];
	_ =	swait.ge [sflag:s4], $0x0  }
0x19: {  	s7 =	sld [smem:$0x3F9D]  }
0x1a: {  	s8 =	sadd.s32 $0xFFFFE003, lr  }
0x1b: {  	s9 =	sadd.s32 $0xFFFFFEF7, lr;
	s5 =	simm.s32 $0xFFFFFFFF;
	p2 =	slt.u32 s8, $0xFFFFF086  }
0x1c: {  	p1 =	slt.u32 s9, $0xF7A;
	s5 =	simm.s32 @!p2 $0x0  }
0x1d: {  	s5 =	simm.s32 @p1 $0x1;
	p0 =	seq.s32 s7, s2  }
0x1e: {  	s7 =	smul.u32 @!p0 $0xF7A, s2;
	p2 =	seq.s32 @!p0 s5, $0x0  }
0x1f: {  	s9 =	smul.u32 $0xF7A, s1;
	s8 =	simm.s32 @!p0 $0x1BF5;
	p2 =	por !p2, p0  }
0x20: {  	[sflag:s8] =	ssyncset.s32 @!p0 $0xFFFFF086;
	s6 =	sadd.s32 @!p0 s3, s7;
	s7 =	simm.s32 @!p0 $0x108  }
0x21: {  	s3 =	sadd.s32 s3, s9;
	s6 =	sadd.s32 @!p0 $0x88, s6;
	s7 =	simm.s32 @p2 $0x1082  }
0x22: {  	[simem:s7], [sflag:s8] =	dma.local @!p0 [hbm:s6], $0xF7A  }
0x23: {  	s9 =	sor.u32 $0xD0000000, s2;
	s6 =	simm.s32 $0x108;
	_ =	swait.ge @!p0 [sflag:s8], $0x0  }
0x24: {  	s3 =	sadd.s32 $0x88, s3;
	s6 =	simm.s32 @!p1 $0x1082;
	[sflag:s4] =	ssyncset.s32 $0xFFFFF086  }
0x25: {  	[simem:s6], [sflag:s4] =	dma.local [hbm:s3], $0xF7A  }
0x26: {  	[smem:$0x3F9D] =	sst s1;
	(tag) =	ssettag s2;
	_ =	strace s9  }
0x27: {  	s1 =	sld [smem:$0x3FAD]  }
0x28: {  	s2 =	sld [smem:$0x3FAE]  }
0x29: {  	s4 =	sld [smem:$0x3FB0]  }
0x2a: {  	p0 =	seq.s32 s5, $0x0;
	s5 =	sld [smem:$0x3FB1]  }
0x2b: {  	s6 =	sld [smem:$0x3FB2]  }
0x2c: {  	s7 =	sld [smem:$0x3FB3]  }
0x2d: {  	s3 =	simm.s32 $0x108;
	s8 =	sld [smem:$0x3FB4]  }
0x2e: {  	s3 =	simm.s32 @!p0 $0x1082;
	s9 =	sld [smem:$0x3FB5]  }
0x2f: {  	lr =	sadd.s32 s0, s3;
	s0 =	sld [smem:$0x3FAC]  }
0x30: {  	s3 =	sld [smem:$0x3FAF]  }
0x31: {  	[smem:$0x3FB8] =	sst s10  }
0x32: {  	s10 =	sld [smem:$0x3FB6];
	_ =	sdelay $0x3  }
0x33: {  	p0 =	seq.s32 s10, $0x1;
	s10 =	sld [smem:$0x3FB8];
	_ =	sdelay $0x3  }
0x34: {  	[smem:$0x3FB8] =	sst s10  }
0x35: {  	s10 =	sld [smem:$0x3FB7];
	_ =	sdelay $0x3  }
0x36: {  	p1 =	seq.s32 s10, $0x1;
	s10 =	sld [smem:$0x3FB8];
	_ =	sdelay $0x3  }
0x37: {  	[smem:$0x3FB8] =	sst s10  }
0x38: {  	s10 =	sld [smem:$0x3FB9]  }
0x39: {  	_ = 	snop;
	(pc) =	sbr.ind lr, $3  }
0x3a: {  	_ = 	snop  }
0x3b: {  	_ = 	snop  }
0x3c: {  	p2 =	seq.s32 s10, $0x1;
	s10 =	sld [smem:$0x3FB8]  }
0x3d: {  	_ =	shalt  }
0x3e: {  	_ =	shalt  }
0x3f: {  	_ =	shalt  }
0x40: {  	_ =	shalt  }
0x41: {  	_ =	shalt  }
0x42: {  	_ =	shalt  }
0x43: {  	_ =	shalt  }
0x44: {  	_ =	shalt  }
0x45: {  	_ =	shalt  }
0x46: {  	_ =	shalt  }
0x47: {  	_ =	shalt  }
0x48: {  	_ =	shalt  }
0x49: {  	_ =	shalt  }
0x4a: {  	_ =	shalt  }
0x4b: {  	_ =	shalt  }
0x4c: {  	_ =	shalt  }
0x4d: {  	_ =	shalt  }
0x4e: {  	_ =	shalt  }
0x4f: {  	_ =	shalt  }
0x50: {  	_ =	shalt  }
0x51: {  	_ =	shalt  }
0x52: {  	_ =	shalt  }
0x53: {  	_ =	shalt  }
0x54: {  	_ =	shalt  }
0x55: {  	_ =	shalt  }
0x56: {  	_ =	shalt  }
0x57: {  	_ =	shalt  }
0x58: {  	_ =	shalt  }
0x59: {  	_ =	shalt  }
0x5a: {  	_ =	shalt  }
0x5b: {  	_ =	shalt  }
0x5c: {  	_ =	shalt  }
0x5d: {  	_ =	shalt  }
0x5e: {  	_ =	shalt  }
0x5f: {  	_ =	shalt  }
0x60: {  	_ =	shalt  }
0x61: {  	_ =	shalt  }
0x62: {  	_ =	shalt  }
0x63: {  	_ =	shalt  }
0x64: {  	_ =	shalt  }
0x65: {  	_ =	shalt  }
0x66: {  	_ =	shalt  }
0x67: {  	_ =	shalt  }
0x68: {  	_ =	shalt  }
0x69: {  	_ =	shalt  }
0x6a: {  	_ =	shalt  }
0x6b: {  	_ =	shalt  }
0x6c: {  	_ =	shalt  }
0x6d: {  	_ =	shalt  }
0x6e: {  	_ =	shalt  }
0x6f: {  	_ =	shalt  }
0x70: {  	_ =	shalt  }
0x71: {  	_ =	shalt  }
0x72: {  	_ =	shalt  }
0x73: {  	_ =	shalt  }
0x74: {  	_ =	shalt  }
0x75: {  	_ =	shalt  }
0x76: {  	_ =	shalt  }
0x77: {  	_ =	shalt  }
0x78: {  	_ =	shalt  }
0x79: {  	_ =	shalt  }
0x7a: {  	_ =	shalt  }
0x7b: {  	_ =	shalt  }
0x7c: {  	_ =	shalt  }
0x7d: {  	_ =	shalt  }
0x7e: {  	_ =	shalt  }
0x7f: {  	_ =	shalt  }
0x80: {  	_ =	shalt  }
0x81: {  	_ =	shalt  }
0x82: {  	_ =	shalt  }
0x83: {  	_ =	shalt  }
0x84: {  	_ =	shalt  }
0x85: {  	_ =	shalt  }
0x86: {  	_ =	shalt  }
0x87: {  	_ =	shalt  }
.Lfunc_end0:
.L_simem_size_0:
called_computation_lowered:
.L_overlay_start_0:
0x88: {  	s2 =	sld [smem:$0x3FD9]  }
0x89: {  	s3 =	sld [smem:$0x3FFE];
	_ =	sdelay $0x1  }
0x8a: {  	s1 =	srdreg.scid  }
0x8b: {  	s0 =	sand.u32 $0x1, s1  }
0x8c: {  	s17 =	sshll.u32 s0, $0xA;
	s2 =	sadd.s32 s3, s2  }
0x8d: {  	s2 =	sadd.s32 s2, s17  }
0x8e: {  	[smem:$0x3FC4] =	sst s2  }
0x8f: {  	_ = 	snop  }
0x90: {  	s2 =	sld [smem:$0x3FC8];
	(tm) =	ssettm $0x1  }
0x91: {  	s18 =	sld [smem:$0x3FFB];
	_ =	sdelay $0x3  }
0x92: {  	_ =	strace s18  }
0x93: {  	s3 =	sld [smem:$0x3FFC];
	_ =	sdelay $0x3  }
0x94: {  	_ =	strace s3  }
0x95: {  	s3 =	sld [smem:$0x3FFD];
	_ =	sdelay $0x3  }
0x96: {  	_ =	strace s3  }
0x97: {  	_ =	strace $0x8FFFFFFF  }
0x98: {  	s19 =	sld [smem:$0x3FDB];
	_ =	sdelay $0x1  }
0x99: {  	s4 =	simm.s32 $_scs_section_size  }
0x9a: {  	s5 =	simm.s32 $_size__tile_overlayer_lowered;
	s6 =	simm.s32 $_tile_overlayer_lowered  }
0x9b: {  	s22 =	simm.s32 $0x1BFF;
	s21 =	sshll.u32 s6, $0x1;
	s3 =	sadd.s32 s4, s19  }
0x9c: {  	s7 =	simm.s32 $0x0;
	s20 =	sshll.u32 s5, $0x1;
	s5 =	sadd.s32 s21, s3  }
0x9d: {  	[timem:s7], [sflag:s22] =	dma.local [hbm:s5], s20  }
0x9e: {  	_ =	swait.ge [sflag:s22], s20  }
0x9f: {  	s4 =	ssub.s32 $0x0, s20;
	[sflag:s22] =	ssyncset.done $0x0  }
0xa0: {  	[sflag:s22] =	ssyncadd.s32 s4;
	_ =	sdelay $0x1  }
0xa1: {  	s23 =	simm.s32 $0x1B8B  }
0xa2: {  	_ =	swait.ge [sflag:s23], $0x1  }
0xa3: {  	[sflag:s23] =	ssyncset.done $0x0  }
0xa4: {  	s25 =	simm.s32 $0x1B8E;
	s24 =	sld [smem:$0x3FFE];
	[sflag:s23] =	ssyncadd.s32 $0xFFFFFFFF  }
0xa5: {  	s26 =	simm.s32 $execute0_lowered;
	[smem:$0x3FD2] =	sst s25  }
0xa6: {  	s5 =	sshll.u32 s26, $0x1;
	_ =	strace $0x80000046;
	[dreg:$0x1] =	wrdreg $0xFFFFFFFF  }
0xa7: {  	s28 =	simm.s32 $_size_execute0_lowered;
	s3 =	sadd.s32 s3, s5;
	[dreg:$0x0] =	wrdreg $0x0  }
0xa8: {  	s5 =	sshll.u32 s28, $0x1;
	[dreg:$0x2] =	wrdreg s3  }
0xa9: {  	[dreg:$0x3] =	wrdreg s5  }
0xaa: {  	[dreg:$0x4] =	wrdreg $0xC0  }
0xab: {  	_ =	task [dreg:s7], $0x5FFFF  }
0xac: {  	[dreg:$0x1] =	wrdreg $0xFFFFFFFF  }
0xad: {  	[dreg:$0x0] =	wrdreg $0x60  }
0xae: {  	[dreg:$0x2] =	wrdreg s24  }
0xaf: {  	[dreg:$0x3] =	wrdreg s2  }
0xb0: {  	[dreg:$0x4] =	wrdreg $0x9  }
0xb1: {  	_ =	task.clear_ibuf [dreg:s7], $0x5FFFF;
	_ =	strace $0x90000046  }
0xb2: {  	s29 =	simm.s32 $0x9;
	_ =	strace $0x80000048  }
0xb3: {  	_ =	swait.ge [sflag:s29], $0x1  }
0xb4: {  	[sflag:s29] =	ssyncadd.s32 $0xFFFFFFFF  }
0xb5: {  	_ =	strace $0x90000048  }
0xb6: {  	_ =	sfence  }
0xb7: {  	s30 =	sld [smem:$0x0];
	_ =	sdelay $0x2  }
0xb8: {  	s31 =	sshll.u32 s1, $0xD;
	s1 =	sshrl.u32 s1, $0x2  }
0xb9: {  	s3 =	sand.u32 $0x4000, s31;
	s1 =	sadd.s32 s1, s30  }
0xba: {  	s0 =	sor.u32 s3, s0;
	s1 =	sshll.u32 s1, $0x11  }
0xbb: {  	s0 =	sor.u32 s1, s0  }
0xbc: {  	s0 =	sadd.s32 $0x8F2B, s0  }
0xbd: {  	[sflag:s0] =	ssyncadd.remote.s32 $0x1  }
0xbe: {  	_ =	sfence.sel $0xFFFF  }
0xbf: {  	[dreg:$0x0] =	wrdreg $0xFFFFFFFF;
	(pc) =	sbr.abs _section_cstart, $3  }
0xc0: {  	[dreg:$0x1] =	wrdreg $0xFFFFFFFF  }
0xc1: {  	_ =	task.clear_ibuf [dreg:s7], $0x2FFFF;
	_ =	strace $0x9FFFFFFF  }
0xc2: {  	(tm) =	ssettm $0x7FFFFFFF  }
0xc3: {  	_ =	shalt  }
tec
execute0_lowered:
.L_overlay_start_1:
0x0: {  	(tag) =	ssettag $0x1  }
0x1: {  	s4 =	rddreg [dreg:$0x0]  }
0x2: {  	s2 =	rddreg [dreg:$0x1]  }
0x3: {  	s0 =	rddreg [dreg:$0x2]  }
0x4: {  	s3 =	simm.s32 $0x0;
	s1 =	stileid.u32;
	s5 =	srdreg.scid  }
0x5: {  	s10 =	simm.s32 $0x7D80;
	s11 =	simm.s32 $0x80;
	s12 =	simm.s32 $0x400  }
0x6: {  	s13 =	simm.s32 $0x0;
	[smem:$0x7FF] =	sst s3;
	s5 =	sand.u32 $0x1, s5  }
0x7: {  	s6 =	sshll.u32 s1, $0x1;
	s7 =	sshll.u32 s1, $0xE;
	_ =	strace $0x80000047  }
0x8: {  	s6 =	sor.u32 s5, s6;
	s7 =	sand.u32 $0x30000, s7;
	s5 =	ssub.s32 $0x2, s5  }
0x9: {  	s8 =	sshll.u32 s6, $0x4;
	s7 =	sadd.s32 s7, s4;
	s9 =	sshrl.u32 s5, $0x1  }
0xa: {  	s4 =	sadd.s32 $0x186A800, s4;
	s8 =	sand.u32 $0x70, s8;
	s9 =	ssub.s32 s5, s9  }
0xb: {  	s5 =	smul.u32 $0xC350, s6;
	s7 =	sadd.s32 s8, s7;
	s8 =	simm.s32 $0x1  }
0xc: {  	v0 =	vimm.f32 $0.0e+00;
	v1 =	vlaneseq.u32;
	s6 =	sadd.s32 $0x800, s7;
	s7 =	smax.u32 s9, $0x1;
	s9 =	simm.s32 $0x7580  }
.LBB2_1:
0xd: {  	s14 =	simm.s32 $0x7DA0  }
0xe: {  	[tilespmem:s14+$0xFFFFFFE0] =	vst v0  }
0xf: {  	[tilespmem:s14+$0x10] =	vst v0  }
0x10: {  	s15 =	simm.s32 $0x0;
	[tilespmem:s14+$0x0] =	vst v0  }
.LBB2_2:
0x11: {  	s15 =	sadd.s32 $0x40, s15  }
0x12: {  	[tilespmem:s14+$0xFFFFFFF0] =	vst v0;
	s14 =	sadd.s32 $0x40, s14;
	p0 =	slt.u32 s15, $0xFFC0  }
.Ltmp0:
0x13: {  	[tilespmem:s14+$0xFFFFFFE0] =	vst v0;
	(pc) =	sbr.rel @p0 .LBB2_2-.Ltmp0, $3  }
0x14: {  	_ =	sdelay $0x1  }
0x15: {  	[tilespmem:s14+$0x10] =	vst v0  }
0x16: {  	[tilespmem:s14+$0x0] =	vst v0  }
0x17: {  	[tilespmem:s14+$0xFFFFFFF0] =	vst v0;
	s14 =	simm.s32 $0x0  }
.LBB2_4:
0x18: {  	s15 =	smul.u32 $0x7D0, s14;
	_ =	sdelay $0x1  }
0x19: {  	s15 =	sadd.s32 s5, s15  }
0x1a: {  	s16 =	smul.u32 $0xF, s15;
	_ =	sdelay $0x1  }
0x1b: {  	s16 =	sshrl.u32 s16, $0x3  }
0x1c: {  	s16 =	sadd.s32 s4, s16  }
0x1d: {  	[tilespmem:s3], [sflag:$0x1] =	stream.linear.gather [hbm4b:s16+s3], $0x7530, $0x38;
	[tilespmem:$0x17D80] =	vst v63  }
0x1e: {  	_ =	swait.ge [sflag:s8], $0x7530  }
0x1f: {  	s15 =	sshrl.u32 s15, $0x3;
	[sflag:s8] =	ssyncset.done $0x0  }
0x20: {  	s15 =	sadd.s32 s2, s15;
	[sflag:s8] =	ssyncadd.s32 $0xFFFF8AD0  }
0x21: {  	[tilespmem:s9], [sflag:$0x1] =	stream.linear.gather [hbm4b:s15+s3], $0x7D0, $0x38;
	[tilespmem:$0x17D80] =	vst v63  }
0x22: {  	_ =	swait.ge [sflag:s8], $0x7D0  }
0x23: {  	[sflag:s8] =	ssyncset.done $0x0  }
0x24: {  	s30 =	simm.s32 $0x7590;
	[sflag:s8] =	ssyncadd.s32 $0xFFFFF830  }
0x25: {  	v2 =	vld [tilespmem:s30+$0x0];
	_ =	sdelay $0x1  }
0x26: {  	v3 =	vld [tilespmem:s30+$0xFFFFFFF0];
	_ =	sdelay $0x2  }
0x27: {  	v4 =	vshll.u32 v2, $0x4  }
0x28: {  	s15 =	simm.s32 $0xF0;
	v2 =	vbroadcast v4, $0x0  }
0x29: {  	v5 =	vld [tilespmem:s15+$0x0];
	v3 =	vshll.u32 v3, $0x4  }
0x2a: {  	v6 =	vbroadcast v3, $0x0;
	v2 =	vor.u32 v1, v2  }
0x2b: {  	v7 =	vld [tilespmem:s15+$0xFFFFFF10]  }
0x2c: {  	v6 =	vor.u32 v1, v6  }
0x2d: {  	vm0 =	veq.s32 v1, $0xF  }
0x2e: {  	v5 =	vsel vm0, $0x3F800000, v5  }
0x2f: {  	[tilespmem:v2+s10+$0x0] =	vst.idx.add.f32.msk $0xffff, v5;
	v2 =	vbroadcast v4, $0x1  }
0x30: {  	v5 =	vsel vm0, $0x3F800000, v7;
	v7 =	vld [tilespmem:s15+$0xF]  }
0x31: {  	v8 =	vbroadcast v3, $0x1;
	[tilespmem:v6+s10+$0x0] =	vst.idx.add.f32.msk $0xffff, v5;
	v2 =	vor.u32 v1, v2  }
0x32: {  	v5 =	vld [tilespmem:s15+$0xFFFFFF1F]  }
0x33: {  	v6 =	vor.u32 v1, v8;
	_ =	sdelay $0x1  }
0x34: {  	v7 =	vsel vm0, $0x3F800000, v7  }
0x35: {  	[tilespmem:v2+s10+$0x0] =	vst.idx.add.f32.msk $0xffff, v7;
	v2 =	vbroadcast v4, $0x2  }
0x36: {  	v5 =	vsel vm0, $0x3F800000, v5;
	v7 =	vld [tilespmem:s15+$0x1E]  }
0x37: {  	v8 =	vbroadcast v3, $0x2;
	[tilespmem:v6+s10+$0x0] =	vst.idx.add.f32.msk $0xffff, v5;
	v2 =	vor.u32 v1, v2  }
0x38: {  	v5 =	vld [tilespmem:s15+$0xFFFFFF2E]  }
0x39: {  	v6 =	vor.u32 v1, v8  }
0x3a: {  	vm1 =	vmmov vm0  }
0x3b: {  	v7 =	vsel vm1, $0x3F800000, v7  }
0x3c: {  	[tilespmem:v2+s10+$0x0] =	vst.idx.add.f32.msk $0xffff, v7;
	v2 =	vbroadcast v4, $0x3  }
0x3d: {  	v5 =	vsel vm1, $0x3F800000, v5;
	v7 =	vld [tilespmem:s15+$0x2D]  }
0x3e: {  	v8 =	vbroadcast v3, $0x3;
	[tilespmem:v6+s10+$0x0] =	vst.idx.add.f32.msk $0xffff, v5;
	v2 =	vor.u32 v1, v2  }
0x3f: {  	v5 =	vld [tilespmem:s15+$0xFFFFFF3D]  }
0x40: {  	v6 =	vor.u32 v1, v8;
	_ =	sdelay $0x1  }
0x41: {  	v7 =	vsel vm1, $0x3F800000, v7  }
0x42: {  	[tilespmem:v2+s10+$0x0] =	vst.idx.add.f32.msk $0xffff, v7;
	v2 =	vbroadcast v4, $0x4  }
0x43: {  	v5 =	vsel vm1, $0x3F800000, v5;
	v7 =	vld [tilespmem:s15+$0x3C]  }
0x44: {  	v8 =	vbroadcast v3, $0x4;
	[tilespmem:v6+s10+$0x0] =	vst.idx.add.f32.msk $0xffff, v5;
	v2 =	vor.u32 v1, v2  }
0x45: {  	v5 =	vld [tilespmem:s15+$0xFFFFFF4C]  }
0x46: {  	v6 =	vor.u32 v1, v8;
	_ =	sdelay $0x1  }
0x47: {  	v7 =	vsel vm1, $0x3F800000, v7  }
0x48: {  	[tilespmem:v2+s10+$0x0] =	vst.idx.add.f32.msk $0xffff, v7;
	v2 =	vbroadcast v4, $0x5  }
0x49: {  	v5 =	vsel vm1, $0x3F800000, v5;
	v7 =	vld [tilespmem:s15+$0x4B]  }
0x4a: {  	v8 =	vbroadcast v3, $0x5;
	[tilespmem:v6+s10+$0x0] =	vst.idx.add.f32.msk $0xffff, v5;
	v2 =	vor.u32 v1, v2  }
0x4b: {  	v5 =	vld [tilespmem:s15+$0xFFFFFF5B]  }
0x4c: {  	v6 =	vor.u32 v1, v8;
	_ =	sdelay $0x1  }
0x4d: {  	v7 =	vsel vm1, $0x3F800000, v7  }
0x4e: {  	[tilespmem:v2+s10+$0x0] =	vst.idx.add.f32.msk $0xffff, v7;
	v2 =	vbroadcast v4, $0x6  }
0x4f: {  	v5 =	vsel vm1, $0x3F800000, v5;
	v7 =	vld [tilespmem:s15+$0x5A]  }
0x50: {  	v8 =	vbroadcast v3, $0x6;
	[tilespmem:v6+s10+$0x0] =	vst.idx.add.f32.msk $0xffff, v5;
	v2 =	vor.u32 v1, v2  }
0x51: {  	v5 =	vld [tilespmem:s15+$0xFFFFFF6A]  }
0x52: {  	v6 =	vor.u32 v1, v8;
	_ =	sdelay $0x1  }
0x53: {  	v7 =	vsel vm1, $0x3F800000, v7  }
0x54: {  	[tilespmem:v2+s10+$0x0] =	vst.idx.add.f32.msk $0xffff, v7;
	v2 =	vbroadcast v4, $0x7  }
0x55: {  	v5 =	vsel vm1, $0x3F800000, v5;
	v7 =	vld [tilespmem:s15+$0x69]  }
0x56: {  	v8 =	vbroadcast v3, $0x7;
	[tilespmem:v6+s10+$0x0] =	vst.idx.add.f32.msk $0xffff, v5;
	v2 =	vor.u32 v1, v2  }
0x57: {  	v5 =	vld [tilespmem:s15+$0xFFFFFF79]  }
0x58: {  	v6 =	vor.u32 v1, v8;
	_ =	sdelay $0x1  }
0x59: {  	v7 =	vsel vm1, $0x3F800000, v7  }
0x5a: {  	[tilespmem:v2+s10+$0x0] =	vst.idx.add.f32.msk $0xffff, v7;
	v2 =	vbroadcast v4, $0x8  }
0x5b: {  	v5 =	vsel vm1, $0x3F800000, v5;
	v7 =	vld [tilespmem:s15+$0x78]  }
0x5c: {  	s31 =	simm.s32 $0x75B0;
	[tilespmem:v6+s10+$0x0] =	vst.idx.add.f32.msk $0xffff, v5;
	v2 =	vor.u32 v1, v2  }
0x5d: {  	v5 =	vld [tilespmem:s31+$0x0]  }
0x5e: {  	v9 =	vld [tilespmem:s31+$0xFFFFFFF0];
	v6 =	vbroadcast v3, $0x8  }
0x5f: {  	v8 =	vld [tilespmem:s15+$0xFFFFFF88]  }
0x60: {  	v6 =	vor.u32 v1, v6;
	v7 =	vsel vm1, $0x3F800000, v7  }
0x61: {  	[tilespmem:v2+s10+$0x0] =	vst.idx.add.f32.msk $0xffff, v7;
	v7 =	vbroadcast v4, $0x9  }
0x62: {  	v2 =	vshll.u32 v5, $0x4;
	v10 =	vld [tilespmem:s15+$0x87]  }
0x63: {  	s16 =	simm.s32 $0x2D0;
	v11 =	vbroadcast v2, $0x0;
	v7 =	vor.u32 v1, v7  }
0x64: {  	v8 =	vsel vm1, $0x3F800000, v8;
	v5 =	vshll.u32 v9, $0x4;
	v9 =	vld [tilespmem:s16+$0x0]  }
0x65: {  	[tilespmem:v6+s10+$0x0] =	vst.idx.add.f32.msk $0xffff, v8;
	v6 =	vbroadcast v5, $0x0;
	v8 =	vor.u32 v1, v11  }
0x66: {  	v11 =	vld [tilespmem:s16+$0xFFFFFF10]  }
0x67: {  	v12 =	vbroadcast v3, $0x9;
	v13 =	vld [tilespmem:s15+$0xFFFFFF97];
	v6 =	vor.u32 v1, v6;
	v10 =	vsel vm1, $0x3F800000, v10  }
0x68: {  	[tilespmem:v7+s10+$0x0] =	vst.idx.add.f32.msk $0xffff, v10;
	v7 =	vbroadcast v4, $0xA  }
0x69: {  	v9 =	vsel vm0, $0x3F800000, v9;
	v10 =	vor.u32 v1, v12;
	v12 =	vld [tilespmem:s15+$0x96]  }
0x6a: {  	[tilespmem:v8+s10+$0x0] =	vst.idx.add.f32.msk $0xffff, v9;
	v8 =	vbroadcast v2, $0x1;
	v7 =	vor.u32 v1, v7  }
0x6b: {  	v9 =	vsel vm0, $0x3F800000, v11;
	v11 =	vld [tilespmem:s16+$0xF]  }
0x6c: {  	v14 =	vbroadcast v5, $0x1;
	[tilespmem:v6+s10+$0x0] =	vst.idx.add.f32.msk $0xffff, v9;
	v6 =	vor.u32 v1, v8  }
0x6d: {  	v8 =	vsel vm1, $0x3F800000, v13;
	v9 =	vld [tilespmem:s16+$0xFFFFFF1F]  }
0x6e: {  	v13 =	vor.u32 v1, v14;
	[tilespmem:v10+s10+$0x0] =	vst.idx.add.f32.msk $0xffff, v8;
	v8 =	vsel vm1, $0x3F800000, v12  }
0x6f: {  	[tilespmem:v7+s10+$0x0] =	vst.idx.add.f32.msk $0xffff, v8;
	v7 =	vbroadcast v4, $0xB  }
0x70: {  	v10 =	vsel vm0, $0x3F800000, v11;
	v8 =	vld [tilespmem:s15+$0xA5]  }
0x71: {  	[tilespmem:v6+s10+$0x0] =	vst.idx.add.f32.msk $0xffff, v10;
	v6 =	vbroadcast v2, $0x2;
	v7 =	vor.u32 v1, v7  }
0x72: {  	v9 =	vsel vm0, $0x3F800000, v9;
	v10 =	vld [tilespmem:s16+$0x1E]  }
0x73: {  	v11 =	vbroadcast v5, $0x2;
	[tilespmem:v13+s10+$0x0] =	vst.idx.add.f32.msk $0xffff, v9;
	v6 =	vor.u32 v1, v6  }
0x74: {  	v9 =	vld [tilespmem:s16+$0xFFFFFF2E]  }
0x75: {  	v12 =	vbroadcast v3, $0xA;
	v11 =	vor.u32 v1, v11;
	v13 =	vld [tilespmem:s15+$0xFFFFFFA6];
	v8 =	vsel vm1, $0x3F800000, v8  }
0x76: {  	[tilespmem:v7+s10+$0x0] =	vst.idx.add.f32.msk $0xffff, v8;
	v7 =	vbroadcast v4, $0xC  }
0x77: {  	v8 =	vor.u32 v1, v12;
	v10 =	vsel vm1, $0x3F800000, v10;
	v12 =	vld [tilespmem:s15+$0xB4]  }
0x78: {  	[tilespmem:v6+s10+$0x0] =	vst.idx.add.f32.msk $0xffff, v10;
	v6 =	vbroadcast v2, $0x3;
	v7 =	vor.u32 v1, v7  }
0x79: {  	v9 =	vsel vm1, $0x3F800000, v9;
	v10 =	vld [tilespmem:s16+$0x2D]  }
0x7a: {  	vm2 =	vmmov vm1;
	v14 =	vbroadcast v5, $0x3;
	[tilespmem:v11+s10+$0x0] =	vst.idx.add.f32.msk $0xffff, v9;
	v6 =	vor.u32 v1, v6  }
0x7b: {  	v9 =	vsel vm2, $0x3F800000, v13;
	v11 =	vld [tilespmem:s16+$0xFFFFFF3D]  }
0x7c: {  	v13 =	vor.u32 v1, v14;
	[tilespmem:v8+s10+$0x0] =	vst.idx.add.f32.msk $0xffff, v9;
	v8 =	vsel vm2, $0x3F800000, v12  }
0x7d: {  	[tilespmem:v7+s10+$0x0] =	vst.idx.add.f32.msk $0xffff, v8;
	v7 =	vbroadcast v4, $0xD  }
0x7e: {  	v9 =	vsel vm1, $0x3F800000, v10;
	v8 =	vld [tilespmem:s15+$0xC3]  }
0x7f: {  	[tilespmem:v6+s10+$0x0] =	vst.idx.add.f32.msk $0xffff, v9;
	v6 =	vbroadcast v2, $0x4;
	v7 =	vor.u32 v1, v7  }
0x80: {  	v9 =	vsel vm1, $0x3F800000, v11;
	v10 =	vld [tilespmem:s16+$0x3C]  }
0x81: {  	v11 =	vbroadcast v5, $0x4;
	[tilespmem:v13+s10+$0x0] =	vst.idx.add.f32.msk $0xffff, v9;
	v6 =	vor.u32 v1, v6  }
0x82: {  	v9 =	vld [tilespmem:s16+$0xFFFFFF4C]  }
0x83: {  	v12 =	vbroadcast v3, $0xB;
	v13 =	vld [tilespmem:s15+$0xFFFFFFB5];
	v11 =	vor.u32 v1, v11;
	v8 =	vsel vm2, $0x3F800000, v8  }
0x84: {  	[tilespmem:v7+s10+$0x0] =	vst.idx.add.f32.msk $0xffff, v8;
	v7 =	vbroadcast v4, $0xE  }
0x85: {  	v8 =	vor.u32 v1, v12;
	v10 =	vsel vm1, $0x3F800000, v10;
	v12 =	vld [tilespmem:s15+$0xD2]  }
0x86: {  	[tilespmem:v6+s10+$0x0] =	vst.idx.add.f32.msk $0xffff, v10;
	v6 =	vbroadcast v2, $0x5;
	v7 =	vor.u32 v1, v7  }
0x87: {  	v9 =	vsel vm1, $0x3F800000, v9;
	v10 =	vld [tilespmem:s16+$0x4B]  }
0x88: {  	v14 =	vbroadcast v5, $0x5;
	[tilespmem:v11+s10+$0x0] =	vst.idx.add.f32.msk $0xffff, v9;
	v6 =	vor.u32 v1, v6  }
0x89: {  	v9 =	vsel vm2, $0x3F800000, v13;
	v11 =	vld [tilespmem:s16+$0xFFFFFF5B]  }
0x8a: {  	v13 =	vor.u32 v1, v14;
	[tilespmem:v8+s10+$0x0] =	vst.idx.add.f32.msk $0xffff, v9;
	v8 =	vsel vm2, $0x3F800000, v12  }
0x8b: {  	v9 =	vbroadcast v3, $0xC;
	[tilespmem:v7+s10+$0x0] =	vst.idx.add.f32.msk $0xffff, v8  }
0x8c: {  	v7 =	vsel vm1, $0x3F800000, v10;
	v8 =	vld [tilespmem:s15+$0xFFFFFFC4]  }
0x8d: {  	v9 =	vor.u32 v1, v9;
	[tilespmem:v6+s10+$0x0] =	vst.idx.add.f32.msk $0xffff, v7;
	v6 =	vbroadcast v2, $0x6  }
0x8e: {  	v7 =	vsel vm1, $0x3F800000, v11;
	v10 =	vld [tilespmem:s16+$0x5A]  }
0x8f: {  	v11 =	vbroadcast v5, $0x6;
	[tilespmem:v13+s10+$0x0] =	vst.idx.add.f32.msk $0xffff, v7;
	v6 =	vor.u32 v1, v6  }
0x90: {  	v7 =	vld [tilespmem:s16+$0xFFFFFF6A]  }
0x91: {  	v4 =	vbroadcast v4, $0xF;
	v12 =	vld [tilespmem:s15+$0xE1];
	v11 =	vor.u32 v1, v11;
	v8 =	vsel vm2, $0x3F800000, v8  }
0x92: {  	v13 =	vbroadcast v3, $0xD;
	[tilespmem:v9+s10+$0x0] =	vst.idx.add.f32.msk $0xffff, v8  }
0x93: {  	v8 =	vbroadcast v3, $0xE;
	v9 =	vor.u32 v1, v4;
	v4 =	vsel vm1, $0x3F800000, v10;
	v10 =	vld [tilespmem:s15+$0xFFFFFFD3]  }
0x94: {  	v13 =	vor.u32 v1, v13;
	[tilespmem:v6+s10+$0x0] =	vst.idx.add.f32.msk $0xffff, v4;
	v6 =	vbroadcast v2, $0x7  }
0x95: {  	v15 =	vbroadcast v5, $0x9;
	v4 =	vor.u32 v1, v8;
	v7 =	vsel vm1, $0x3F800000, v7;
	v8 =	vld [tilespmem:s16+$0x69]  }
0x96: {  	v17 =	vbroadcast v5, $0xD;
	v14 =	vbroadcast v5, $0x7;
	[tilespmem:v11+s10+$0x0] =	vst.idx.add.f32.msk $0xffff, v7;
	v6 =	vor.u32 v1, v6  }
0x97: {  	v18 =	vbroadcast v5, $0xE;
	v7 =	vbroadcast v5, $0x8;
	v11 =	vsel vm2, $0x3F800000, v12;
	v12 =	vld [tilespmem:s16+$0xFFFFFF79]  }
0x98: {  	v16 =	vor.u32 v1, v14;
	v14 =	vbroadcast v5, $0xA;
	[tilespmem:v9+s10+$0x0] =	vst.idx.add.f32.msk $0xffff, v11;
	v9 =	vsel vm2, $0x3F800000, v10  }
0x99: {  	v3 =	vbroadcast v3, $0xF;
	v11 =	vor.u32 v1, v7;
	v7 =	vbroadcast v5, $0xB;
	[tilespmem:v13+s10+$0x0] =	vst.idx.add.f32.msk $0xffff, v9  }
0x9a: {  	v10 =	vor.u32 v1, v15;
	v9 =	vor.u32 v1, v14;
	v15 =	vsel vm1, $0x3F800000, v8;
	v14 =	vld [tilespmem:s15+$0xFFFFFFE2]  }
0x9b: {  	v19 =	vbroadcast v2, $0x8;
	v3 =	vor.u32 v1, v3;
	v13 =	vbroadcast v5, $0xC;
	[tilespmem:v6+s10+$0x0] =	vst.idx.add.f32.msk $0xffff, v15  }
0x9c: {  	v5 =	vbroadcast v5, $0xF;
	v8 =	vor.u32 v1, v7;
	v12 =	vsel vm1, $0x3F800000, v12;
	v15 =	vld [tilespmem:s16+$0x78]  }
0x9d: {  	v7 =	vor.u32 v1, v13;
	[tilespmem:v16+s10+$0x0] =	vst.idx.add.f32.msk $0xffff, v12;
	v16 =	vor.u32 v1, v19  }
0x9e: {  	s18 =	simm.s32 $0x2;
	s19 =	simm.s32 $0x75D0;
	s17 =	simm.s32 $0x2D0;
	v6 =	vor.u32 v1, v17;
	v5 =	vor.u32 v1, v5;
	v12 =	vor.u32 v1, v18;
	v13 =	vld [tilespmem:s16+$0xFFFFFF88]  }
.LBB2_5:
0x9f: {  	v17 =	vld [tilespmem:s19+$0x0];
	s18 =	sadd.s32 $0x2, s18;
	v14 =	vsel vm2, $0x3F800000, v14  }
0xa0: {  	v18 =	vld [tilespmem:s19+$0xFFFFFFF0];
	p0 =	slt.u32 s18, $0x7A  }
0xa1: {  	v15 =	vsel vm1, $0x3F800000, v15;
	[tilespmem:v4+s10+$0x0] =	vst.idx.add.f32.msk $0xffff, v14;
	v4 =	vmov v12  }
0xa2: {  	v12 =	vbroadcast v2, $0x9;
	[tilespmem:v16+s10+$0x0] =	vst.idx.add.f32.msk $0xffff, v15  }
0xa3: {  	v13 =	vsel vm1, $0x3F800000, v13;
	v15 =	vld [tilespmem:s16+$0x87]  }
0xa4: {  	v14 =	vshll.u32 v17, $0x4;
	[tilespmem:v11+s10+$0x0] =	vst.idx.add.f32.msk $0xffff, v13;
	v11 =	vor.u32 v1, v12  }
0xa5: {  	s16 =	sadd.s32 $0x1E0, s16;
	v12 =	vshll.u32 v18, $0x4;
	v13 =	vbroadcast v14, $0x0;
	v16 =	vld [tilespmem:s17+$0xFFFFFF97]  }
0xa6: {  	v17 =	vbroadcast v12, $0x0;
	v18 =	vbroadcast v12, $0x1;
	v19 =	vld [tilespmem:s16+$0x0]  }
0xa7: {  	v21 =	vbroadcast v12, $0x2;
	v22 =	vbroadcast v12, $0x3;
	v20 =	vld [tilespmem:s16+$0xFFFFFF10];
	v13 =	vor.u32 v1, v13  }
0xa8: {  	v17 =	vor.u32 v1, v17;
	v18 =	vor.u32 v1, v18;
	v15 =	vsel vm1, $0x3F800000, v15;
	v23 =	vld [tilespmem:s15+$0xFFFFFFF1];
	s15 =	smov.u32 s17;
	s17 =	smov.u32 s16  }
0xa9: {  	v21 =	vor.u32 v1, v21;
	v22 =	vor.u32 v1, v22;
	[tilespmem:v11+s10+$0x0] =	vst.idx.add.f32.msk $0xffff, v15;
	v11 =	vbroadcast v2, $0xA  }
0xaa: {  	v24 =	vbroadcast v12, $0x5;
	v15 =	vbroadcast v12, $0x4;
	v16 =	vsel vm1, $0x3F800000, v16;
	v25 =	vld [tilespmem:s15+$0x96]  }
0xab: {  	v26 =	vbroadcast v12, $0x6;
	v19 =	vsel vm0, $0x3F800000, v19;
	[tilespmem:v10+s10+$0x0] =	vst.idx.add.f32.msk $0xffff, v16;
	v27 =	vor.u32 v1, v11  }
0xac: {  	v11 =	vbroadcast v14, $0x1;
	v10 =	vsel vm0, $0x3F800000, v20;
	v20 =	vor.u32 v1, v15;
	[tilespmem:v13+s10+$0x0] =	vst.idx.add.f32.msk $0xffff, v19  }
0xad: {  	v16 =	vor.u32 v1, v24;
	v15 =	vor.u32 v1, v26;
	v13 =	vbroadcast v12, $0x7;
	v19 =	vld [tilespmem:s16+$0xF]  }
0xae: {  	v24 =	vor.u32 v1, v11;
	[tilespmem:v17+s10+$0x0] =	vst.idx.add.f32.msk $0xffff, v10;
	v10 =	vbroadcast v12, $0x8;
	v17 =	vbroadcast v12, $0x9  }
0xaf: {  	v28 =	vbroadcast v12, $0xA;
	v13 =	vor.u32 v1, v13;
	v26 =	vld [tilespmem:s16+$0xFFFFFF1F];
	v25 =	vsel vm1, $0x3F800000, v25  }
0xb0: {  	v11 =	vor.u32 v1, v10;
	v10 =	vor.u32 v1, v17;
	[tilespmem:v27+s10+$0x0] =	vst.idx.add.f32.msk $0xffff, v25;
	v17 =	vbroadcast v2, $0xB  }
0xb1: {  	v25 =	vor.u32 v1, v28;
	v27 =	vbroadcast v12, $0xB;
	v28 =	vbroadcast v12, $0xC;
	v29 =	vld [tilespmem:s15+$0xA5]  }
0xb2: {  	v30 =	vbroadcast v12, $0xD;
	v19 =	vsel vm0, $0x3F800000, v19;
	v31 =	vld [tilespmem:s15+$0xFFFFFFA6];
	v32 =	vor.u32 v1, v17  }
0xb3: {  	v27 =	vor.u32 v1, v27;
	v28 =	vor.u32 v1, v28;
	[tilespmem:v24+s10+$0x0] =	vst.idx.add.f32.msk $0xffff, v19;
	v19 =	vbroadcast v14, $0x2  }
0xb4: {  	v17 =	vor.u32 v1, v30;
	v24 =	vsel vm0, $0x3F800000, v26;
	v26 =	vbroadcast v12, $0xE;
	v30 =	vld [tilespmem:s16+$0x1E]  }
0xb5: {  	v23 =	vsel vm2, $0x3F800000, v23;
	[tilespmem:v18+s10+$0x0] =	vst.idx.add.f32.msk $0xffff, v24;
	v18 =	vbroadcast v12, $0xF;
	v19 =	vor.u32 v1, v19  }
0xb6: {  	vm2 =	vmmov vm1;
	v24 =	vld [tilespmem:s16+$0xFFFFFF2E];
	v12 =	vor.u32 v1, v26;
	v26 =	vsel vm1, $0x3F800000, v29  }
0xb7: {  	v18 =	vor.u32 v1, v18;
	v29 =	vsel vm2, $0x3F800000, v31;
	[tilespmem:v32+s10+$0x0] =	vst.idx.add.f32.msk $0xffff, v26;
	v26 =	vbroadcast v2, $0xC  }
0xb8: {  	vm1 =	vmmov vm0;
	v31 =	vld [tilespmem:s15+$0xB4]  }
0xb9: {  	v30 =	vsel vm1, $0x3F800000, v30;
	[tilespmem:v9+s10+$0x0] =	vst.idx.add.f32.msk $0xffff, v29;
	v26 =	vor.u32 v1, v26;
	v9 =	vmov v25  }
0xba: {  	[tilespmem:v19+s10+$0x0] =	vst.idx.add.f32.msk $0xffff, v30;
	v19 =	vbroadcast v14, $0x3  }
0xbb: {  	v24 =	vsel vm1, $0x3F800000, v24;
	v25 =	vld [tilespmem:s16+$0x2D]  }
0xbc: {  	[tilespmem:v21+s10+$0x0] =	vst.idx.add.f32.msk $0xffff, v24;
	v19 =	vor.u32 v1, v19  }
0xbd: {  	v21 =	vld [tilespmem:s16+$0xFFFFFF3D];
	v24 =	vsel vm2, $0x3F800000, v31  }
0xbe: {  	[tilespmem:v26+s10+$0x0] =	vst.idx.add.f32.msk $0xffff, v24;
	v24 =	vbroadcast v2, $0xD  }
0xbf: {  	v26 =	vld [tilespmem:s15+$0xC3]  }
0xc0: {  	v25 =	vsel vm1, $0x3F800000, v25;
	v29 =	vld [tilespmem:s15+$0xFFFFFFB5];
	v24 =	vor.u32 v1, v24  }
0xc1: {  	[tilespmem:v19+s10+$0x0] =	vst.idx.add.f32.msk $0xffff, v25;
	v19 =	vbroadcast v14, $0x4  }
0xc2: {  	v21 =	vsel vm1, $0x3F800000, v21;
	v25 =	vld [tilespmem:s16+$0x3C]  }
0xc3: {  	[tilespmem:v22+s10+$0x0] =	vst.idx.add.f32.msk $0xffff, v21;
	v19 =	vor.u32 v1, v19  }
0xc4: {  	v21 =	vld [tilespmem:s16+$0xFFFFFF4C];
	v22 =	vsel vm2, $0x3F800000, v26  }
0xc5: {  	v26 =	vsel vm2, $0x3F800000, v29;
	[tilespmem:v24+s10+$0x0] =	vst.idx.add.f32.msk $0xffff, v22;
	v22 =	vbroadcast v2, $0xE  }
0xc6: {  	v24 =	vld [tilespmem:s15+$0xD2]  }
0xc7: {  	v25 =	vsel vm1, $0x3F800000, v25;
	[tilespmem:v8+s10+$0x0] =	vst.idx.add.f32.msk $0xffff, v26;
	v22 =	vor.u32 v1, v22;
	v8 =	vmov v27  }
0xc8: {  	[tilespmem:v19+s10+$0x0] =	vst.idx.add.f32.msk $0xffff, v25;
	v19 =	vbroadcast v14, $0x5  }
0xc9: {  	v21 =	vsel vm1, $0x3F800000, v21;
	v25 =	vld [tilespmem:s16+$0x4B]  }
0xca: {  	[tilespmem:v20+s10+$0x0] =	vst.idx.add.f32.msk $0xffff, v21;
	v19 =	vor.u32 v1, v19  }
0xcb: {  	v20 =	vld [tilespmem:s16+$0xFFFFFF5B];
	v21 =	vsel vm2, $0x3F800000, v24  }
0xcc: {  	[tilespmem:v22+s10+$0x0] =	vst.idx.add.f32.msk $0xffff, v21;
	v21 =	vbroadcast v2, $0xF;
	v2 =	vmov v14  }
0xcd: {  	v14 =	vld [tilespmem:s15+$0xE1]  }
0xce: {  	v22 =	vsel vm1, $0x3F800000, v25;
	v24 =	vld [tilespmem:s15+$0xFFFFFFC4];
	v21 =	vor.u32 v1, v21  }
0xcf: {  	[tilespmem:v19+s10+$0x0] =	vst.idx.add.f32.msk $0xffff, v22;
	v19 =	vbroadcast v2, $0x6  }
0xd0: {  	v20 =	vsel vm1, $0x3F800000, v20;
	v22 =	vld [tilespmem:s16+$0x5A]  }
0xd1: {  	[tilespmem:v16+s10+$0x0] =	vst.idx.add.f32.msk $0xffff, v20;
	v16 =	vor.u32 v1, v19  }
0xd2: {  	v19 =	vld [tilespmem:s16+$0xFFFFFF6A];
	v14 =	vsel vm2, $0x3F800000, v14  }
0xd3: {  	v20 =	vsel vm2, $0x3F800000, v24;
	[tilespmem:v21+s10+$0x0] =	vst.idx.add.f32.msk $0xffff, v14  }
0xd4: {  	[tilespmem:v7+s10+$0x0] =	vst.idx.add.f32.msk $0xffff, v20;
	v7 =	vmov v28  }
0xd5: {  	v14 =	vsel vm1, $0x3F800000, v22;
	v20 =	vld [tilespmem:s15+$0xFFFFFFD3]  }
0xd6: {  	[tilespmem:v16+s10+$0x0] =	vst.idx.add.f32.msk $0xffff, v14;
	v14 =	vbroadcast v2, $0x7  }
0xd7: {  	v16 =	vsel vm1, $0x3F800000, v19;
	v19 =	vld [tilespmem:s16+$0x69]  }
0xd8: {  	[tilespmem:v15+s10+$0x0] =	vst.idx.add.f32.msk $0xffff, v16;
	v15 =	vor.u32 v1, v14  }
0xd9: {  	v16 =	vld [tilespmem:s16+$0xFFFFFF79]  }
0xda: {  	v14 =	vsel vm2, $0x3F800000, v20;
	[tilespmem:v3+s10+$0x0] =	vst.idx.add.f32.msk $0xffff, v23;
	v3 =	vmov v5;
	v5 =	vmov v18  }
0xdb: {  	[tilespmem:v6+s10+$0x0] =	vst.idx.add.f32.msk $0xffff, v14;
	v6 =	vmov v17  }
.Ltmp1:
0xdc: {  	v17 =	vsel vm1, $0x3F800000, v19;
	v14 =	vld [tilespmem:s15+$0xFFFFFFE2];
	(pc) =	sbr.rel @p0 .LBB2_5-.Ltmp1, $4  }
0xdd: {  	[tilespmem:v15+s10+$0x0] =	vst.idx.add.f32.msk $0xffff, v17;
	v17 =	vbroadcast v2, $0x8  }
0xde: {  	v16 =	vsel vm1, $0x3F800000, v16;
	v15 =	vld [tilespmem:s16+$0x78]  }
0xdf: {  	[tilespmem:v13+s10+$0x0] =	vst.idx.add.f32.msk $0xffff, v16;
	v16 =	vor.u32 v1, v17  }
0xe0: {  	s19 =	sadd.s32 $0x20, s19;
	v13 =	vld [tilespmem:s16+$0xFFFFFF88]  }
0xe1: {  	_ =	sdelay $0x2  }
0xe2: {  	v15 =	vsel vm1, $0x3F800000, v15  }
0xe3: {  	v48 =	vbroadcast v2, $0x9;
	[tilespmem:v16+s10+$0x0] =	vst.idx.add.f32.msk $0xffff, v15  }
0xe4: {  	v13 =	vsel vm1, $0x3F800000, v13;
	v16 =	vld [tilespmem:s16+$0x87]  }
0xe5: {  	v49 =	vor.u32 v1, v48;
	[tilespmem:v11+s10+$0x0] =	vst.idx.add.f32.msk $0xffff, v13  }
0xe6: {  	v13 =	vld [tilespmem:s17+$0xFFFFFF97];
	_ =	sdelay $0x2  }
0xe7: {  	v50 =	vsel vm1, $0x3F800000, v16  }
0xe8: {  	v51 =	vbroadcast v2, $0xA;
	[tilespmem:v49+s10+$0x0] =	vst.idx.add.f32.msk $0xffff, v50  }
0xe9: {  	v13 =	vsel vm1, $0x3F800000, v13;
	v15 =	vld [tilespmem:s17+$0x96]  }
0xea: {  	v52 =	vor.u32 v1, v51;
	[tilespmem:v10+s10+$0x0] =	vst.idx.add.f32.msk $0xffff, v13  }
0xeb: {  	v53 =	vld [tilespmem:s17+$0xFFFFFFA6];
	_ =	sdelay $0x2  }
0xec: {  	v54 =	vsel vm1, $0x3F800000, v15  }
0xed: {  	v55 =	vbroadcast v2, $0xB;
	vm3 =	vmmov vm1;
	[tilespmem:v52+s10+$0x0] =	vst.idx.add.f32.msk $0xffff, v54  }
0xee: {  	v13 =	vld [tilespmem:s17+$0xA5];
	v11 =	vsel vm3, $0x3F800000, v53  }
0xef: {  	v10 =	vor.u32 v1, v55;
	[tilespmem:v9+s10+$0x0] =	vst.idx.add.f32.msk $0xffff, v11  }
0xf0: {  	v9 =	vld [tilespmem:s17+$0xFFFFFFB5];
	_ =	sdelay $0x2  }
0xf1: {  	v56 =	vsel vm1, $0x3F800000, v13  }
0xf2: {  	v57 =	vbroadcast v2, $0xC;
	[tilespmem:v10+s10+$0x0] =	vst.idx.add.f32.msk $0xffff, v56  }
0xf3: {  	v11 =	vld [tilespmem:s17+$0xB4];
	v9 =	vsel vm3, $0x3F800000, v9  }
0xf4: {  	v10 =	vor.u32 v1, v57;
	[tilespmem:v8+s10+$0x0] =	vst.idx.add.f32.msk $0xffff, v9  }
0xf5: {  	v8 =	vld [tilespmem:s17+$0xFFFFFFC4];
	_ =	sdelay $0x2  }
0xf6: {  	v58 =	vsel vm3, $0x3F800000, v11  }
0xf7: {  	v59 =	vbroadcast v2, $0xD;
	[tilespmem:v10+s10+$0x0] =	vst.idx.add.f32.msk $0xffff, v58  }
0xf8: {  	v10 =	vld [tilespmem:s17+$0xC3];
	v8 =	vsel vm3, $0x3F800000, v8  }
0xf9: {  	v9 =	vor.u32 v1, v59;
	[tilespmem:v7+s10+$0x0] =	vst.idx.add.f32.msk $0xffff, v8  }
0xfa: {  	v7 =	vld [tilespmem:s17+$0xFFFFFFD3];
	_ =	sdelay $0x2  }
0xfb: {  	v60 =	vsel vm3, $0x3F800000, v10  }
0xfc: {  	v61 =	vbroadcast v2, $0xE;
	[tilespmem:v9+s10+$0x0] =	vst.idx.add.f32.msk $0xffff, v60  }
0xfd: {  	v9 =	vld [tilespmem:s17+$0xD2];
	v7 =	vsel vm3, $0x3F800000, v7  }
0xfe: {  	v8 =	vor.u32 v1, v61;
	[tilespmem:v6+s10+$0x0] =	vst.idx.add.f32.msk $0xffff, v7  }
0xff: {  	v6 =	vld [tilespmem:s17+$0xFFFFFFE2]  }
0x100: {  	v62 =	vsel vm2, $0x3F800000, v14  }
0x101: {  	[tilespmem:v4+s10+$0x0] =	vst.idx.add.f32.msk $0xffff, v62  }
0x102: {  	v4 =	vld [tilespmem:s15+$0xFFFFFFF1];
	v63 =	vsel vm3, $0x3F800000, v9  }
0x103: {  	[tilespmem:v8+s10+$0x0] =	vst.idx.add.f32.msk $0xffff, v63  }
0x104: {  	v2 =	vbroadcast v2, $0xF;
	v7 =	vld [tilespmem:s17+$0xE1];
	v6 =	vsel vm3, $0x3F800000, v6  }
0x105: {  	[tilespmem:v12+s10+$0x0] =	vst.idx.add.f32.msk $0xffff, v6  }
0x106: {  	v2 =	vor.u32 v1, v2;
	v6 =	vld [tilespmem:s17+$0xFFFFFFF1];
	_ =	sdelay $0x2  }
0x107: {  	v4 =	vsel vm2, $0x3F800000, v4  }
0x108: {  	[tilespmem:v3+s10+$0x0] =	vst.idx.add.f32.msk $0xffff, v4;
	v7 =	vsel vm3, $0x3F800000, v7  }
0x109: {  	[tilespmem:v2+s10+$0x0] =	vst.idx.add.f32.msk $0xffff, v7;
	v2 =	vsel vm3, $0x3F800000, v6  }
0x10a: {  	[tilespmem:v5+s10+$0x0] =	vst.idx.add.f32.msk $0xffff, v2  }
0x10b: {  	v2 =	vld [tilespmem:$0x7D40];
	_ =	sdelay $0x4  }
0x10c: {  	v2 =	vshll.u32 v2, $0x4  }
0x10d: {  	v3 =	vbroadcast v2, $0x0  }
0x10e: {  	v4 =	vld [tilespmem:$0x7440]  }
0x10f: {  	v3 =	vor.u32 v1, v3;
	_ =	sdelay $0x3  }
0x110: {  	v4 =	vsel vm0, $0x3F800000, v4  }
0x111: {  	[tilespmem:v3+s10+$0x0] =	vst.idx.add.f32.msk $0xffff, v4;
	v3 =	vbroadcast v2, $0x1  }
0x112: {  	v4 =	vld [tilespmem:$0x744F]  }
0x113: {  	v3 =	vor.u32 v1, v3;
	_ =	sdelay $0x3  }
0x114: {  	v4 =	vsel vm0, $0x3F800000, v4  }
0x115: {  	[tilespmem:v3+s10+$0x0] =	vst.idx.add.f32.msk $0xffff, v4;
	v3 =	vbroadcast v2, $0x2  }
0x116: {  	v4 =	vld [tilespmem:$0x745E]  }
0x117: {  	v3 =	vor.u32 v1, v3;
	_ =	sdelay $0x3  }
0x118: {  	v4 =	vsel vm0, $0x3F800000, v4  }
0x119: {  	[tilespmem:v3+s10+$0x0] =	vst.idx.add.f32.msk $0xffff, v4;
	v3 =	vbroadcast v2, $0x3  }
0x11a: {  	v4 =	vld [tilespmem:$0x746D]  }
0x11b: {  	v3 =	vor.u32 v1, v3;
	_ =	sdelay $0x3  }
0x11c: {  	v4 =	vsel vm0, $0x3F800000, v4  }
0x11d: {  	[tilespmem:v3+s10+$0x0] =	vst.idx.add.f32.msk $0xffff, v4;
	v3 =	vbroadcast v2, $0x4  }
0x11e: {  	v4 =	vld [tilespmem:$0x747C]  }
0x11f: {  	v3 =	vor.u32 v1, v3;
	_ =	sdelay $0x3  }
0x120: {  	v4 =	vsel vm0, $0x3F800000, v4  }
0x121: {  	[tilespmem:v3+s10+$0x0] =	vst.idx.add.f32.msk $0xffff, v4;
	v3 =	vbroadcast v2, $0x5  }
0x122: {  	v4 =	vld [tilespmem:$0x748B]  }
0x123: {  	v3 =	vor.u32 v1, v3;
	_ =	sdelay $0x3  }
0x124: {  	v4 =	vsel vm0, $0x3F800000, v4  }
0x125: {  	[tilespmem:v3+s10+$0x0] =	vst.idx.add.f32.msk $0xffff, v4;
	v3 =	vbroadcast v2, $0x6  }
0x126: {  	v4 =	vld [tilespmem:$0x749A]  }
0x127: {  	v3 =	vor.u32 v1, v3;
	_ =	sdelay $0x3  }
0x128: {  	v4 =	vsel vm0, $0x3F800000, v4  }
0x129: {  	[tilespmem:v3+s10+$0x0] =	vst.idx.add.f32.msk $0xffff, v4;
	v3 =	vbroadcast v2, $0x7  }
0x12a: {  	v4 =	vld [tilespmem:$0x74A9]  }
0x12b: {  	v3 =	vor.u32 v1, v3;
	_ =	sdelay $0x3  }
0x12c: {  	v4 =	vsel vm0, $0x3F800000, v4  }
0x12d: {  	[tilespmem:v3+s10+$0x0] =	vst.idx.add.f32.msk $0xffff, v4;
	v3 =	vbroadcast v2, $0x8  }
0x12e: {  	v4 =	vld [tilespmem:$0x74B8]  }
0x12f: {  	v3 =	vor.u32 v1, v3;
	_ =	sdelay $0x3  }
0x130: {  	v4 =	vsel vm0, $0x3F800000, v4  }
0x131: {  	[tilespmem:v3+s10+$0x0] =	vst.idx.add.f32.msk $0xffff, v4;
	v3 =	vbroadcast v2, $0x9  }
0x132: {  	v4 =	vld [tilespmem:$0x74C7]  }
0x133: {  	v3 =	vor.u32 v1, v3;
	_ =	sdelay $0x3  }
0x134: {  	v4 =	vsel vm0, $0x3F800000, v4  }
0x135: {  	[tilespmem:v3+s10+$0x0] =	vst.idx.add.f32.msk $0xffff, v4;
	v3 =	vbroadcast v2, $0xA  }
0x136: {  	v4 =	vld [tilespmem:$0x74D6]  }
0x137: {  	v3 =	vor.u32 v1, v3;
	_ =	sdelay $0x3  }
0x138: {  	v4 =	vsel vm0, $0x3F800000, v4  }
0x139: {  	[tilespmem:v3+s10+$0x0] =	vst.idx.add.f32.msk $0xffff, v4;
	v3 =	vbroadcast v2, $0xB  }
0x13a: {  	v4 =	vld [tilespmem:$0x74E5]  }
0x13b: {  	v3 =	vor.u32 v1, v3;
	_ =	sdelay $0x3  }
0x13c: {  	v4 =	vsel vm0, $0x3F800000, v4  }
0x13d: {  	[tilespmem:v3+s10+$0x0] =	vst.idx.add.f32.msk $0xffff, v4;
	v3 =	vbroadcast v2, $0xC  }
0x13e: {  	v4 =	vld [tilespmem:$0x74F4]  }
0x13f: {  	v3 =	vor.u32 v1, v3;
	_ =	sdelay $0x3  }
0x140: {  	v4 =	vsel vm0, $0x3F800000, v4  }
0x141: {  	[tilespmem:v3+s10+$0x0] =	vst.idx.add.f32.msk $0xffff, v4;
	v3 =	vbroadcast v2, $0xD  }
0x142: {  	v4 =	vld [tilespmem:$0x7503]  }
0x143: {  	v3 =	vor.u32 v1, v3;
	_ =	sdelay $0x3  }
0x144: {  	v4 =	vsel vm0, $0x3F800000, v4  }
0x145: {  	[tilespmem:v3+s10+$0x0] =	vst.idx.add.f32.msk $0xffff, v4;
	v3 =	vbroadcast v2, $0xE  }
0x146: {  	v4 =	vld [tilespmem:$0x7512]  }
0x147: {  	v3 =	vor.u32 v1, v3;
	_ =	sdelay $0x3  }
0x148: {  	v4 =	vsel vm0, $0x3F800000, v4  }
0x149: {  	v2 =	vbroadcast v2, $0xF;
	[tilespmem:v3+s10+$0x0] =	vst.idx.add.f32.msk $0xffff, v4  }
0x14a: {  	s14 =	sadd.s32 $0x1, s14;
	v3 =	vld [tilespmem:$0x7521]  }
0x14b: {  	p0 =	sne.s32 s14, $0x19;
	v2 =	vor.u32 v1, v2  }
.Ltmp2:
0x14c: {  	_ = 	snop;
	(pc) =	sbr.rel @p0 .LBB2_4-.Ltmp2, $3  }
0x14d: {  	_ =	sdelay $0x1  }
0x14e: {  	v3 =	vsel vm0, $0x3F800000, v3  }
0x14f: {  	[tilespmem:v2+s10+$0x0] =	vst.idx.add.f32.msk $0xffff, v3  }
0x150: {  	s13 =	sadd.s32 $0x1, s13  }
0x151: {  	p0 =	sne.s32 s13, s7  }
.Ltmp3:
0x152: {  	_ = 	snop;
	(pc) =	sbr.rel @p0 .LBB2_1-.Ltmp3, $4  }
0x153: {  	[hbm4b:s6+s11] =	stream.strided.scatter [tilespmem:s10], [sflag:$0x1], $0x10000, s12, s11, $0x38;
	[tilespmem:$0x17D80] =	vst v63  }
0x154: {  	_ =	swait.ge [sflag:s8], $0x10000  }
0x155: {  	[sflag:s8] =	ssyncset.done $0x0  }
0x156: {  	[sflag:s8] =	ssyncadd.s32 $0xFFFF0000  }
0x157: {  	_ =	sfence.sel $0x180000  }
0x158: {  	[bflag:$0x0] =	sbarrier.arrive $0xFFFF  }
0x159: {  	p0 =	sne.s32 s1, $0x0;
	_ =	strace $0x90000047  }
0x15a: {  	s0 =	sadd.s32 @!p0 $0x100000, s0;
	[bflag:$0x2] =	sbarrier.arrive $0xFFFF  }
0x15b: {  	[sflag:s0] =	ssyncadd.tile.s32 @!p0 $0x1;
	_ =	shalt  }
.Lfunc_end2:
_tile_overlayer_lowered:
.L_overlay_start_2:
0x15c: {  	(tag) =	ssettag $0x2  }
0x15d: {  	s0 =	rddreg [dreg:$0x0];
	s2 =	stileid.u32  }
0x15e: {  	s1 =	rddreg [dreg:$0x1];
	p0 =	sne.s32 s2, $0x0  }
0x15f: {  	s3 =	rddreg [dreg:$0x2];
	[bflag:$0x3] =	sbarrier.arrive $0xFFFF;
	s2 =	simm.s32 @!p0 $0x1C01  }
0x160: {  	[timem:s3], [sflag:s2] =	dma.local @!p0 [hbm:s0], s1  }
0x161: {  	s0 =	simm.s32 @!p0 $0x1  }
0x162: {  	_ =	swait.ge @!p0 [sflag:s0], s1  }
0x163: {  	s1 =	ssub.s32 @!p0 $0x0, s1;
	[sflag:s0] =	ssyncset.done @!p0 $0x0  }
0x164: {  	[sflag:s0] =	ssyncadd.s32 @!p0 s1  }
0x165: {  	[bflag:$0x3] =	sbarrier.arrive $0xFFFF  }
0x166: {  	_ =	shalt  }

</sc_bundles>
